<compile_context>
chip_gen: v7x
topology: tpu7x:2x2x1
jax: 0.10.2.dev20260603
libtpu: 0.0.44.dev20260713+nightly
codegen_flags: <defaults>
</compile_context>

<pallas_src>
import functools

import jax
import jax.numpy as jnp
from jax import lax
from jax.experimental import pallas as pl
from jax.experimental.pallas import tpu as pltpu
from jax.experimental.pallas import tpu_sc as plsc

B = 16384
D = 64
NUM_REL = 1000
TABP = 1024
EPS = 1e-6
NC = 2
NS = 16
NW = NC * NS
RPW = B // NW
NCH = 4
CR = RPW // NCH
CGROUPS = CR // 16
DCH = 16


def _sc_body(s_hbm, o_hbm, rel_hbm, tab_hbm, out_hbm,
             idx_v, tab_sh, t_v, s0, o0, s1, o1, out_v,
             sem_t, sem0, sem1):
    cid = lax.axis_index("c")
    sid = lax.axis_index("s")
    wid = sid * NC + cid
    base = wid * RPW

    head = [pltpu.async_copy(rel_hbm.at[wid], idx_v, sem_t)]
    bufs = [(s0, o0, sem0), (s1, o1, sem1)]

    def start_pair(p, rb):
        sv, ov, sem = bufs[p]
        pltpu.async_copy(s_hbm.at[:, pl.ds(rb, CR)], sv, sem)
        pltpu.async_copy(o_hbm.at[:, pl.ds(rb, CR)], ov, sem)

    def drain_pair(p):
        sv, ov, sem = bufs[p]
        pltpu.make_async_copy(s_hbm.at[:, pl.ds(0, CR)], sv, sem).wait()
        pltpu.make_async_copy(o_hbm.at[:, pl.ds(0, CR)], ov, sem).wait()

    start_pair(0, base)
    start_pair(1, base + CR)

    @pl.when(sid == 0)
    def _():
        pltpu.sync_copy(tab_hbm, tab_sh)

    plsc.subcore_barrier()
    pltpu.sync_copy(tab_sh, t_v)
    for h in head:
        h.wait()

    def round_body(r, carry):
        for p in (0, 1):
            c = r * 2 + p
            sv_ref, ov_ref, _ = bufs[p]
            drain_pair(p)

            @plsc.parallel_loop(0, CGROUPS)
            def group(g, sv_ref=sv_ref, ov_ref=ov_ref, c=c):
                g16 = g * 16
                rel = idx_v[c, pl.ds(g16, 16)]

                def dstep(dd, accs):
                    accs = list(accs)
                    tb = rel + dd * (DCH * TABP)
                    for k in range(DCH):
                        d = dd * DCH + k
                        sd = sv_ref[d, pl.ds(g16, 16)]
                        od = ov_ref[d, pl.ds(g16, 16)]
                        td = plsc.load_gather(t_v, [tb + k * TABP])
                        df = sd + td - od + EPS
                        accs[k % 4] = accs[k % 4] + df * df
                    return tuple(accs)

                accs = lax.fori_loop(
                    0, D // DCH, dstep,
                    tuple(jnp.zeros((16,), jnp.float32) for _ in range(4)))
                acc = (accs[0] + accs[1]) + (accs[2] + accs[3])
                bits = lax.bitcast_convert_type(acc, jnp.int32)
                y = lax.bitcast_convert_type(
                    jnp.int32(0x5F3759DF) - (bits >> 1), jnp.float32)
                for _ in range(3):
                    y = y * (1.5 - 0.5 * acc * y * y)
                out_v[pl.ds(c * CR + g16, 16)] = acc * y

            @pl.when(r == 0)
            def _(p=p, c=c):
                start_pair(p, base + (c + 2) * CR)
        return carry

    lax.fori_loop(0, NCH // 2, round_body, 0)
    pltpu.sync_copy(out_v, out_hbm.at[pl.ds(base, RPW)])


_sc_call = functools.partial(
    pl.kernel,
    mesh=plsc.VectorSubcoreMesh(core_axis_name="c", subcore_axis_name="s"),
    out_type=jax.ShapeDtypeStruct((B,), jnp.float32),
    compiler_params=pltpu.CompilerParams(needs_layout_passes=False),
    scratch_types=[
        pltpu.VMEM((NCH, CR), jnp.int32),
        pltpu.VMEM_SHARED((D * TABP,), jnp.float32),
        pltpu.VMEM((D * TABP,), jnp.float32),
        pltpu.VMEM((D, CR), jnp.float32),
        pltpu.VMEM((D, CR), jnp.float32),
        pltpu.VMEM((D, CR), jnp.float32),
        pltpu.VMEM((D, CR), jnp.float32),
        pltpu.VMEM((RPW,), jnp.float32),
        pltpu.SemaphoreType.DMA,
        pltpu.SemaphoreType.DMA,
        pltpu.SemaphoreType.DMA,
    ],
)(_sc_body)


def kernel(subject_embeddings, object_embeddings, relations, relation_table):
    tab = jnp.pad(relation_table.T, ((0, 0), (0, TABP - NUM_REL)))
    return _sc_call(subject_embeddings.T, object_embeddings.T,
                    relations.astype(jnp.int32).reshape(NW, NCH, CR),
                    tab.reshape(D * TABP))

# --- scband reference (transcript-rebuilt; emitter-appended) ---
"""Pipeline reference for scband-trans-edecoder-36369783063045 (READ-ONLY COPY).

The authoritative reference and input builder live on the scoring server;
editing this copy changes nothing except your own understanding.
"""

import jax, jax.numpy as jnp
import numpy as np

B = 16384
D = 64
NUM_REL = 1000
EPS = 1e-6  # torch.nn.PairwiseDistance default eps


def setup_inputs(seed: int = 0) -> dict:
    key = jax.random.key(seed)
    k1, k2, k3, k4 = jax.random.split(key, 4)
    subject_embeddings = jax.random.normal(k1, (B, D), dtype=jnp.float32)
    object_embeddings = jax.random.normal(k2, (B, D), dtype=jnp.float32)
    relations = jax.random.randint(k3, (B,), 0, NUM_REL, dtype=jnp.int64 if jax.config.read('jax_enable_x64') else jnp.int32)
    # relation embedding table, xavier_normal init: std = sqrt(2 / (fan_in + fan_out))
    std = float(np.sqrt(2.0 / (NUM_REL + D)))
    relation_table = jax.random.normal(k4, (NUM_REL, D), dtype=jnp.float32) * std
    return {
        'subject_embeddings': subject_embeddings,
        'object_embeddings': object_embeddings,
        'relations': relations,
        'relation_table': relation_table,
    }


def reference(subject_embeddings, object_embeddings, relations, relation_table):
    # dropout p=0 -> identity
    relation_embeddings = jnp.take(relation_table, relations, axis=0)  # embedding gather
    # PairwiseDistance(p=2): ||x1 - x2 + eps||_2
    diff = (subject_embeddings + relation_embeddings) - object_embeddings + EPS
    scores = jnp.sqrt(jnp.sum(diff * diff, axis=-1))
    return scores

if __name__ == "__main__":
    import jax
    _d = setup_inputs()
    print(jax.jit(kernel)(*tuple(_d.values())))

</pallas_src>

<mosaic_0001>
#map = affine_map<(d0, d1) -> (0, 0)>
#map1 = affine_map<(d0, d1) -> (0, 0, 0)>
#map2 = affine_map<(d0, d1) -> (0)>
module attributes {stable_mosaic.version = 14 : i64} {
  func.func @_sc_body(%arg0: i32, %arg1: i32, %arg2: memref<64x16384xf32, #tpu.memory_space<hbm>>, %arg3: memref<64x16384xf32, #tpu.memory_space<hbm>>, %arg4: memref<32x4x128xi32, #tpu.memory_space<hbm>>, %arg5: memref<65536xf32, #tpu.memory_space<hbm>>, %arg6: memref<16384xf32, #tpu.memory_space<hbm>>, %arg7: memref<4x128xi32, #tpu.memory_space<vmem>>, %arg8: memref<65536xf32, #tpu.memory_space<vmem_shared>>, %arg9: memref<65536xf32, #tpu.memory_space<vmem>>, %arg10: memref<64x128xf32, #tpu.memory_space<vmem>>, %arg11: memref<64x128xf32, #tpu.memory_space<vmem>>, %arg12: memref<64x128xf32, #tpu.memory_space<vmem>>, %arg13: memref<64x128xf32, #tpu.memory_space<vmem>>, %arg14: memref<512xf32, #tpu.memory_space<vmem>>, %arg15: memref<!tpu.dma_semaphore, #tpu.memory_space<semaphore_mem>>, %arg16: memref<!tpu.dma_semaphore, #tpu.memory_space<semaphore_mem>>, %arg17: memref<!tpu.dma_semaphore, #tpu.memory_space<semaphore_mem>>) attributes {dimension_semantics = [#tpu.dimension_semantics<core_parallel>, #tpu.dimension_semantics<subcore_parallel>], iteration_bounds = array<i64: 2, 16>, scalar_prefetch = 0 : i64, scratch_operands = 11 : i64, tpu.core_type = #tpu.core_type<sc_vector_subcore>, window_params = [{transform_indices = #map}, {transform_indices = #map}, {transform_indices = #map1}, {transform_indices = #map2}, {transform_indices = #map2}]} {
    %mul3A = arith.constant 2 : i32
    %mul3A_0 = arith.muli %arg1, %mul3A : i32
    %add3A = arith.addi %mul3A_0, %arg0 : i32
    %mul3A_1 = arith.constant 512 : i32
    %mul3A_2 = arith.muli %add3A, %mul3A_1 : i32
    %dma_start3A = arith.constant 0 : i32
    %dma_start3A_3 = arith.constant 0 : i32
    %dma_start3A_4 = tpu.memref_slice %arg4[%add3A, %dma_start3A, %dma_start3A_3] : memref<32x4x128xi32, #tpu.memory_space<hbm>> -> memref<1x4x128xi32, #tpu.memory_space<hbm>>
    %dma_start3A_5 = tpu.memref_squeeze %dma_start3A_4 : memref<1x4x128xi32, #tpu.memory_space<hbm>> -> memref<4x128xi32, #tpu.memory_space<hbm>>
    %dma_start3A_6 = arith.constant 0 : i32
    %dma_start3A_7 = arith.constant 0 : i32
    %dma_start3A_8 = tpu.memref_slice %arg4[%add3A, %dma_start3A_6, %dma_start3A_7] : memref<32x4x128xi32, #tpu.memory_space<hbm>> -> memref<1x4x128xi32, #tpu.memory_space<hbm>>
    %dma_start3A_9 = tpu.memref_squeeze %dma_start3A_8 : memref<1x4x128xi32, #tpu.memory_space<hbm>> -> memref<4x128xi32, #tpu.memory_space<hbm>>
    tpu.enqueue_dma source(%dma_start3A_9 : memref<4x128xi32, #tpu.memory_space<hbm>>) target(%arg7 : memref<4x128xi32, #tpu.memory_space<vmem>>) target_semaphore(%arg15 : memref<!tpu.dma_semaphore, #tpu.memory_space<semaphore_mem>>)
    %dma_start3A_10 = arith.constant 0 : i32
    %dma_start3A_11 = tpu.memref_slice %arg2[%dma_start3A_10, %mul3A_2] : memref<64x16384xf32, #tpu.memory_space<hbm>> -> memref<64x128xf32, #tpu.memory_space<hbm>>
    %dma_start3A_12 = arith.constant 0 : i32
    %dma_start3A_13 = tpu.memref_slice %arg2[%dma_start3A_12, %mul3A_2] : memref<64x16384xf32, #tpu.memory_space<hbm>> -> memref<64x128xf32, #tpu.memory_space<hbm>>
    tpu.enqueue_dma source(%dma_start3A_13 : memref<64x128xf32, #tpu.memory_space<hbm>>) target(%arg10 : memref<64x128xf32, #tpu.memory_space<vmem>>) target_semaphore(%arg16 : memref<!tpu.dma_semaphore, #tpu.memory_space<semaphore_mem>>)
    %dma_start3A_14 = arith.constant 0 : i32
    %dma_start3A_15 = tpu.memref_slice %arg3[%dma_start3A_14, %mul3A_2] : memref<64x16384xf32, #tpu.memory_space<hbm>> -> memref<64x128xf32, #tpu.memory_space<hbm>>
    %dma_start3A_16 = arith.constant 0 : i32
    %dma_start3A_17 = tpu.memref_slice %arg3[%dma_start3A_16, %mul3A_2] : memref<64x16384xf32, #tpu.memory_space<hbm>> -> memref<64x128xf32, #tpu.memory_space<hbm>>
    tpu.enqueue_dma source(%dma_start3A_17 : memref<64x128xf32, #tpu.memory_space<hbm>>) target(%arg11 : memref<64x128xf32, #tpu.memory_space<vmem>>) target_semaphore(%arg16 : memref<!tpu.dma_semaphore, #tpu.memory_space<semaphore_mem>>)
    %add3A_18 = arith.constant 128 : i32
    %add3A_19 = arith.addi %mul3A_2, %add3A_18 : i32
    %dma_start3A_20 = arith.constant 0 : i32
    %dma_start3A_21 = tpu.memref_slice %arg2[%dma_start3A_20, %add3A_19] : memref<64x16384xf32, #tpu.memory_space<hbm>> -> memref<64x128xf32, #tpu.memory_space<hbm>>
    %dma_start3A_22 = arith.constant 0 : i32
    %dma_start3A_23 = tpu.memref_slice %arg2[%dma_start3A_22, %add3A_19] : memref<64x16384xf32, #tpu.memory_space<hbm>> -> memref<64x128xf32, #tpu.memory_space<hbm>>
    tpu.enqueue_dma source(%dma_start3A_23 : memref<64x128xf32, #tpu.memory_space<hbm>>) target(%arg12 : memref<64x128xf32, #tpu.memory_space<vmem>>) target_semaphore(%arg17 : memref<!tpu.dma_semaphore, #tpu.memory_space<semaphore_mem>>)
    %dma_start3A_24 = arith.constant 0 : i32
    %dma_start3A_25 = tpu.memref_slice %arg3[%dma_start3A_24, %add3A_19] : memref<64x16384xf32, #tpu.memory_space<hbm>> -> memref<64x128xf32, #tpu.memory_space<hbm>>
    %dma_start3A_26 = arith.constant 0 : i32
    %dma_start3A_27 = tpu.memref_slice %arg3[%dma_start3A_26, %add3A_19] : memref<64x16384xf32, #tpu.memory_space<hbm>> -> memref<64x128xf32, #tpu.memory_space<hbm>>
    tpu.enqueue_dma source(%dma_start3A_27 : memref<64x128xf32, #tpu.memory_space<hbm>>) target(%arg13 : memref<64x128xf32, #tpu.memory_space<vmem>>) target_semaphore(%arg17 : memref<!tpu.dma_semaphore, #tpu.memory_space<semaphore_mem>>)
    %eq3A = arith.constant 0 : i32
    %eq3A_28 = arith.cmpi eq, %arg1, %eq3A : i32
    %convert_element_type3A = arith.extui %eq3A_28 : i1 to i32
    %cond3A = arith.constant 0 : i32
    %cond3A_29 = arith.cmpi ne, %convert_element_type3A, %cond3A : i32
    scf.if %cond3A_29 {
      "tpu.region"() ({
        %run_scoped3A = tpu.sem_alloc : memref<!tpu.dma_semaphore, #tpu.memory_space<semaphore_mem>>
        tpu.enqueue_dma source(%arg5 : memref<65536xf32, #tpu.memory_space<hbm>>) target(%arg8 : memref<65536xf32, #tpu.memory_space<vmem_shared>>) target_semaphore(%run_scoped3A : memref<!tpu.dma_semaphore, #tpu.memory_space<semaphore_mem>>)
        tpu.wait_dma2 semaphore(%run_scoped3A : memref<!tpu.dma_semaphore, #tpu.memory_space<semaphore_mem>>) src(%arg5 : memref<65536xf32, #tpu.memory_space<hbm>>) dst(%arg8 : memref<65536xf32, #tpu.memory_space<vmem_shared>>)
        tpu.yield
      }) : () -> ()
    } else {
    }
    %barrier3A = arith.constant 0 : index
    tpu.barrier barrier_id(%barrier3A)
    "tpu.region"() ({
      %run_scoped3A = tpu.sem_alloc : memref<!tpu.dma_semaphore, #tpu.memory_space<semaphore_mem>>
      tpu.enqueue_dma source(%arg8 : memref<65536xf32, #tpu.memory_space<vmem_shared>>) target(%arg9 : memref<65536xf32, #tpu.memory_space<vmem>>) target_semaphore(%run_scoped3A : memref<!tpu.dma_semaphore, #tpu.memory_space<semaphore_mem>>)
      tpu.wait_dma2 semaphore(%run_scoped3A : memref<!tpu.dma_semaphore, #tpu.memory_space<semaphore_mem>>) src(%arg8 : memref<65536xf32, #tpu.memory_space<vmem_shared>>) dst(%arg9 : memref<65536xf32, #tpu.memory_space<vmem>>)
      tpu.yield
    }) : () -> ()
    %dma_wait3A = arith.constant 0 : i32
    %dma_wait3A_30 = arith.constant 0 : i32
    %dma_wait3A_31 = tpu.memref_slice %arg4[%add3A, %dma_wait3A, %dma_wait3A_30] : memref<32x4x128xi32, #tpu.memory_space<hbm>> -> memref<1x4x128xi32, #tpu.memory_space<hbm>>
    %dma_wait3A_32 = tpu.memref_squeeze %dma_wait3A_31 : memref<1x4x128xi32, #tpu.memory_space<hbm>> -> memref<4x128xi32, #tpu.memory_space<hbm>>
    %dma_wait3A_33 = arith.constant 0 : i32
    %dma_wait3A_34 = arith.constant 0 : i32
    %dma_wait3A_35 = tpu.memref_slice %arg4[%add3A, %dma_wait3A_33, %dma_wait3A_34] : memref<32x4x128xi32, #tpu.memory_space<hbm>> -> memref<1x4x128xi32, #tpu.memory_space<hbm>>
    %dma_wait3A_36 = tpu.memref_squeeze %dma_wait3A_35 : memref<1x4x128xi32, #tpu.memory_space<hbm>> -> memref<4x128xi32, #tpu.memory_space<hbm>>
    tpu.wait_dma2 semaphore(%arg15 : memref<!tpu.dma_semaphore, #tpu.memory_space<semaphore_mem>>) src(%dma_wait3A_36 : memref<4x128xi32, #tpu.memory_space<hbm>>) dst(%arg7 : memref<4x128xi32, #tpu.memory_space<vmem>>)
    %scan3A = arith.constant 0 : i32
    %scan3A_37 = arith.constant 0 : i32
    %scan3A_38 = arith.constant 2 : i32
    %scan3A_39 = arith.addi %scan3A_37, %scan3A_38 : i32
    %scan3A_40 = arith.constant 1 : i32
    scf.for %scan3A_42 = %scan3A_37 to %scan3A_39 step %scan3A_40  : i32 {
      %mul3A_43 = arith.constant 2 : i32
      %mul3A_44 = arith.muli %scan3A_42, %mul3A_43 : i32
      %add3A_45 = arith.constant 0 : i32
      %add3A_46 = arith.addi %mul3A_44, %add3A_45 : i32
      %dma_wait3A_47 = arith.constant 0 : i32
      %dma_wait3A_48 = arith.constant 0 : i32
      %dma_wait3A_49 = tpu.memref_slice %arg2[%dma_wait3A_47, %dma_wait3A_48] : memref<64x16384xf32, #tpu.memory_space<hbm>> -> memref<64x128xf32, #tpu.memory_space<hbm>>
      %dma_wait3A_50 = arith.constant 0 : i32
      %dma_wait3A_51 = arith.constant 0 : i32
      %dma_wait3A_52 = tpu.memref_slice %arg2[%dma_wait3A_50, %dma_wait3A_51] : memref<64x16384xf32, #tpu.memory_space<hbm>> -> memref<64x128xf32, #tpu.memory_space<hbm>>
      tpu.wait_dma2 semaphore(%arg16 : memref<!tpu.dma_semaphore, #tpu.memory_space<semaphore_mem>>) src(%dma_wait3A_52 : memref<64x128xf32, #tpu.memory_space<hbm>>) dst(%arg10 : memref<64x128xf32, #tpu.memory_space<vmem>>)
      %dma_wait3A_53 = arith.constant 0 : i32
      %dma_wait3A_54 = arith.constant 0 : i32
      %dma_wait3A_55 = tpu.memref_slice %arg3[%dma_wait3A_53, %dma_wait3A_54] : memref<64x16384xf32, #tpu.memory_space<hbm>> -> memref<64x128xf32, #tpu.memory_space<hbm>>
      %dma_wait3A_56 = arith.constant 0 : i32
      %dma_wait3A_57 = arith.constant 0 : i32
      %dma_wait3A_58 = tpu.memref_slice %arg3[%dma_wait3A_56, %dma_wait3A_57] : memref<64x16384xf32, #tpu.memory_space<hbm>> -> memref<64x128xf32, #tpu.memory_space<hbm>>
      tpu.wait_dma2 semaphore(%arg16 : memref<!tpu.dma_semaphore, #tpu.memory_space<semaphore_mem>>) src(%dma_wait3A_58 : memref<64x128xf32, #tpu.memory_space<hbm>>) dst(%arg11 : memref<64x128xf32, #tpu.memory_space<vmem>>)
      %parallel_loop3A = arith.constant 0 : i32
      %parallel_loop3A_59 = arith.constant 8 : i32
      %parallel_loop3A_60 = arith.constant 1 : i32
      scf.for %parallel_loop3A_90 = %parallel_loop3A to %parallel_loop3A_59 step %parallel_loop3A_60  : i32 {
        %parallel_loop3A_91 = arith.constant 16 : i32
        %parallel_loop3A_92 = arith.muli %parallel_loop3A_90, %parallel_loop3A_91 : i32
        %parallel_loop3A_93 = arith.index_cast %add3A_46 : i32 to index
        %parallel_loop3A_94 = arith.index_cast %parallel_loop3A_92 : i32 to index
        %parallel_loop3A_95 = tpu.vector_load %arg7[%parallel_loop3A_93, %parallel_loop3A_94] {strides = array<i32>} : memref<4x128xi32, #tpu.memory_space<vmem>>, vector<16xi32>,
        %parallel_loop3A_96 = arith.constant 0.000000e+00 : f32
        %parallel_loop3A_97 = vector.broadcast %parallel_loop3A_96 : f32 to vector<16xf32>
        %parallel_loop3A_98 = arith.constant 0.000000e+00 : f32
        %parallel_loop3A_99 = vector.broadcast %parallel_loop3A_98 : f32 to vector<16xf32>
        %parallel_loop3A_100 = arith.constant 0.000000e+00 : f32
        %parallel_loop3A_101 = vector.broadcast %parallel_loop3A_100 : f32 to vector<16xf32>
        %parallel_loop3A_102 = arith.constant 0.000000e+00 : f32
        %parallel_loop3A_103 = vector.broadcast %parallel_loop3A_102 : f32 to vector<16xf32>
        %parallel_loop3A_104 = arith.constant 0 : i32
        %parallel_loop3A_105 = arith.constant 4 : i32
        %parallel_loop3A_106 = arith.addi %parallel_loop3A_104, %parallel_loop3A_105 : i32
        %parallel_loop3A_107 = arith.constant 1 : i32
        %parallel_loop3A_108:4 = scf.for %scan3A_154 = %parallel_loop3A_104 to %parallel_loop3A_106 step %parallel_loop3A_107 iter_args(%scan3A_155 = %parallel_loop3A_97, %scan3A_156 = %parallel_loop3A_99, %scan3A_157 = %parallel_loop3A_101, %scan3A_158 = %parallel_loop3A_103) -> (vector<16xf32>, vector<16xf32>, vector<16xf32>, vector<16xf32>)  : i32 {
          %parallel_loop3A_159 = arith.constant 16384 : i32
          %parallel_loop3A_160 = arith.muli %scan3A_154, %parallel_loop3A_159 : i32
          %parallel_loop3A_161 = vector.broadcast %parallel_loop3A_160 : i32 to vector<16xi32>
          %parallel_loop3A_162 = arith.addi %parallel_loop3A_95, %parallel_loop3A_161 : vector<16xi32>
          %parallel_loop3A_163 = arith.constant 16 : i32
          %parallel_loop3A_164 = arith.muli %scan3A_154, %parallel_loop3A_163 : i32
          %parallel_loop3A_165 = arith.constant 0 : i32
          %parallel_loop3A_166 = arith.addi %parallel_loop3A_164, %parallel_loop3A_165 : i32
          %parallel_loop3A_167 = arith.index_cast %parallel_loop3A_166 : i32 to index
          %parallel_loop3A_168 = arith.index_cast %parallel_loop3A_92 : i32 to index
          %parallel_loop3A_169 = tpu.vector_load %arg10[%parallel_loop3A_167, %parallel_loop3A_168] {strides = array<i32>} : memref<64x128xf32, #tpu.memory_space<vmem>>, vector<16xf32>,
          %parallel_loop3A_170 = arith.index_cast %parallel_loop3A_166 : i32 to index
          %parallel_loop3A_171 = arith.index_cast %parallel_loop3A_92 : i32 to index
          %parallel_loop3A_172 = tpu.vector_load %arg11[%parallel_loop3A_170, %parallel_loop3A_171] {strides = array<i32>} : memref<64x128xf32, #tpu.memory_space<vmem>>, vector<16xf32>,
          %parallel_loop3A_173 = arith.constant 0 : i32
          %parallel_loop3A_174 = vector.broadcast %parallel_loop3A_173 : i32 to vector<16xi32>
          %parallel_loop3A_175 = arith.addi %parallel_loop3A_162, %parallel_loop3A_174 : vector<16xi32>
          %parallel_loop3A_176 = tpu.vector_load_idx %arg9[%parallel_loop3A_175] : memref<65536xf32, #tpu.memory_space<vmem>>[vector<16xi32>], vector<16xf32>,
          %parallel_loop3A_177 = arith.addf %parallel_loop3A_169, %parallel_loop3A_176 : vector<16xf32>
          %parallel_loop3A_178 = arith.subf %parallel_loop3A_177, %parallel_loop3A_172 : vector<16xf32>
          %parallel_loop3A_179 = arith.constant 9.99999997E-7 : f32
          %parallel_loop3A_180 = vector.broadcast %parallel_loop3A_179 : f32 to vector<16xf32>
          %parallel_loop3A_181 = arith.addf %parallel_loop3A_178, %parallel_loop3A_180 : vector<16xf32>
          %parallel_loop3A_182 = arith.mulf %parallel_loop3A_181, %parallel_loop3A_181 : vector<16xf32>
          %parallel_loop3A_183 = arith.addf %scan3A_155, %parallel_loop3A_182 : vector<16xf32>
          %parallel_loop3A_184 = arith.constant 16 : i32
          %parallel_loop3A_185 = arith.muli %scan3A_154, %parallel_loop3A_184 : i32
          %parallel_loop3A_186 = arith.constant 1 : i32
          %parallel_loop3A_187 = arith.addi %parallel_loop3A_185, %parallel_loop3A_186 : i32
          %parallel_loop3A_188 = arith.index_cast %parallel_loop3A_187 : i32 to index
          %parallel_loop3A_189 = arith.index_cast %parallel_loop3A_92 : i32 to index
          %parallel_loop3A_190 = tpu.vector_load %arg10[%parallel_loop3A_188, %parallel_loop3A_189] {strides = array<i32>} : memref<64x128xf32, #tpu.memory_space<vmem>>, vector<16xf32>,
          %parallel_loop3A_191 = arith.index_cast %parallel_loop3A_187 : i32 to index
          %parallel_loop3A_192 = arith.index_cast %parallel_loop3A_92 : i32 to index
          %parallel_loop3A_193 = tpu.vector_load %arg11[%parallel_loop3A_191, %parallel_loop3A_192] {strides = array<i32>} : memref<64x128xf32, #tpu.memory_space<vmem>>, vector<16xf32>,
          %parallel_loop3A_194 = arith.constant 1024 : i32
          %parallel_loop3A_195 = vector.broadcast %parallel_loop3A_194 : i32 to vector<16xi32>
          %parallel_loop3A_196 = arith.addi %parallel_loop3A_162, %parallel_loop3A_195 : vector<16xi32>
          %parallel_loop3A_197 = tpu.vector_load_idx %arg9[%parallel_loop3A_196] : memref<65536xf32, #tpu.memory_space<vmem>>[vector<16xi32>], vector<16xf32>,
          %parallel_loop3A_198 = arith.addf %parallel_loop3A_190, %parallel_loop3A_197 : vector<16xf32>
          %parallel_loop3A_199 = arith.subf %parallel_loop3A_198, %parallel_loop3A_193 : vector<16xf32>
          %parallel_loop3A_200 = arith.constant 9.99999997E-7 : f32
          %parallel_loop3A_201 = vector.broadcast %parallel_loop3A_200 : f32 to vector<16xf32>
          %parallel_loop3A_202 = arith.addf %parallel_loop3A_199, %parallel_loop3A_201 : vector<16xf32>
          %parallel_loop3A_203 = arith.mulf %parallel_loop3A_202, %parallel_loop3A_202 : vector<16xf32>
          %parallel_loop3A_204 = arith.addf %scan3A_156, %parallel_loop3A_203 : vector<16xf32>
          %parallel_loop3A_205 = arith.constant 16 : i32
          %parallel_loop3A_206 = arith.muli %scan3A_154, %parallel_loop3A_205 : i32
          %parallel_loop3A_207 = arith.constant 2 : i32
          %parallel_loop3A_208 = arith.addi %parallel_loop3A_206, %parallel_loop3A_207 : i32
          %parallel_loop3A_209 = arith.index_cast %parallel_loop3A_208 : i32 to index
          %parallel_loop3A_210 = arith.index_cast %parallel_loop3A_92 : i32 to index
          %parallel_loop3A_211 = tpu.vector_load %arg10[%parallel_loop3A_209, %parallel_loop3A_210] {strides = array<i32>} : memref<64x128xf32, #tpu.memory_space<vmem>>, vector<16xf32>,
          %parallel_loop3A_212 = arith.index_cast %parallel_loop3A_208 : i32 to index
          %parallel_loop3A_213 = arith.index_cast %parallel_loop3A_92 : i32 to index
          %parallel_loop3A_214 = tpu.vector_load %arg11[%parallel_loop3A_212, %parallel_loop3A_213] {strides = array<i32>} : memref<64x128xf32, #tpu.memory_space<vmem>>, vector<16xf32>,
          %parallel_loop3A_215 = arith.constant 2048 : i32
          %parallel_loop3A_216 = vector.broadcast %parallel_loop3A_215 : i32 to vector<16xi32>
          %parallel_loop3A_217 = arith.addi %parallel_loop3A_162, %parallel_loop3A_216 : vector<16xi32>
          %parallel_loop3A_218 = tpu.vector_load_idx %arg9[%parallel_loop3A_217] : memref<65536xf32, #tpu.memory_space<vmem>>[vector<16xi32>], vector<16xf32>,
          %parallel_loop3A_219 = arith.addf %parallel_loop3A_211, %parallel_loop3A_218 : vector<16xf32>
          %parallel_loop3A_220 = arith.subf %parallel_loop3A_219, %parallel_loop3A_214 : vector<16xf32>
          %parallel_loop3A_221 = arith.constant 9.99999997E-7 : f32
          %parallel_loop3A_222 = vector.broadcast %parallel_loop3A_221 : f32 to vector<16xf32>
          %parallel_loop3A_223 = arith.addf %parallel_loop3A_220, %parallel_loop3A_222 : vector<16xf32>
          %parallel_loop3A_224 = arith.mulf %parallel_loop3A_223, %parallel_loop3A_223 : vector<16xf32>
          %parallel_loop3A_225 = arith.addf %scan3A_157, %parallel_loop3A_224 : vector<16xf32>
          %parallel_loop3A_226 = arith.constant 16 : i32
          %parallel_loop3A_227 = arith.muli %scan3A_154, %parallel_loop3A_226 : i32
          %parallel_loop3A_228 = arith.constant 3 : i32
          %parallel_loop3A_229 = arith.addi %parallel_loop3A_227, %parallel_loop3A_228 : i32
          %parallel_loop3A_230 = arith.index_cast %parallel_loop3A_229 : i32 to index
          %parallel_loop3A_231 = arith.index_cast %parallel_loop3A_92 : i32 to index
          %parallel_loop3A_232 = tpu.vector_load %arg10[%parallel_loop3A_230, %parallel_loop3A_231] {strides = array<i32>} : memref<64x128xf32, #tpu.memory_space<vmem>>, vector<16xf32>,
          %parallel_loop3A_233 = arith.index_cast %parallel_loop3A_229 : i32 to index
          %parallel_loop3A_234 = arith.index_cast %parallel_loop3A_92 : i32 to index
          %parallel_loop3A_235 = tpu.vector_load %arg11[%parallel_loop3A_233, %parallel_loop3A_234] {strides = array<i32>} : memref<64x128xf32, #tpu.memory_space<vmem>>, vector<16xf32>,
          %parallel_loop3A_236 = arith.constant 3072 : i32
          %parallel_loop3A_237 = vector.broadcast %parallel_loop3A_236 : i32 to vector<16xi32>
          %parallel_loop3A_238 = arith.addi %parallel_loop3A_162, %parallel_loop3A_237 : vector<16xi32>
          %parallel_loop3A_239 = tpu.vector_load_idx %arg9[%parallel_loop3A_238] : memref<65536xf32, #tpu.memory_space<vmem>>[vector<16xi32>], vector<16xf32>,
          %parallel_loop3A_240 = arith.addf %parallel_loop3A_232, %parallel_loop3A_239 : vector<16xf32>
          %parallel_loop3A_241 = arith.subf %parallel_loop3A_240, %parallel_loop3A_235 : vector<16xf32>
          %parallel_loop3A_242 = arith.constant 9.99999997E-7 : f32
          %parallel_loop3A_243 = vector.broadcast %parallel_loop3A_242 : f32 to vector<16xf32>
          %parallel_loop3A_244 = arith.addf %parallel_loop3A_241, %parallel_loop3A_243 : vector<16xf32>
          %parallel_loop3A_245 = arith.mulf %parallel_loop3A_244, %parallel_loop3A_244 : vector<16xf32>
          %parallel_loop3A_246 = arith.addf %scan3A_158, %parallel_loop3A_245 : vector<16xf32>
          %parallel_loop3A_247 = arith.constant 16 : i32
          %parallel_loop3A_248 = arith.muli %scan3A_154, %parallel_loop3A_247 : i32
          %parallel_loop3A_249 = arith.constant 4 : i32
          %parallel_loop3A_250 = arith.addi %parallel_loop3A_248, %parallel_loop3A_249 : i32
          %parallel_loop3A_251 = arith.index_cast %parallel_loop3A_250 : i32 to index
          %parallel_loop3A_252 = arith.index_cast %parallel_loop3A_92 : i32 to index
          %parallel_loop3A_253 = tpu.vector_load %arg10[%parallel_loop3A_251, %parallel_loop3A_252] {strides = array<i32>} : memref<64x128xf32, #tpu.memory_space<vmem>>, vector<16xf32>,
          %parallel_loop3A_254 = arith.index_cast %parallel_loop3A_250 : i32 to index
          %parallel_loop3A_255 = arith.index_cast %parallel_loop3A_92 : i32 to index
          %parallel_loop3A_256 = tpu.vector_load %arg11[%parallel_loop3A_254, %parallel_loop3A_255] {strides = array<i32>} : memref<64x128xf32, #tpu.memory_space<vmem>>, vector<16xf32>,
          %parallel_loop3A_257 = arith.constant 4096 : i32
          %parallel_loop3A_258 = vector.broadcast %parallel_loop3A_257 : i32 to vector<16xi32>
          %parallel_loop3A_259 = arith.addi %parallel_loop3A_162, %parallel_loop3A_258 : vector<16xi32>
          %parallel_loop3A_260 = tpu.vector_load_idx %arg9[%parallel_loop3A_259] : memref<65536xf32, #tpu.memory_space<vmem>>[vector<16xi32>], vector<16xf32>,
          %parallel_loop3A_261 = arith.addf %parallel_loop3A_253, %parallel_loop3A_260 : vector<16xf32>
          %parallel_loop3A_262 = arith.subf %parallel_loop3A_261, %parallel_loop3A_256 : vector<16xf32>
          %parallel_loop3A_263 = arith.constant 9.99999997E-7 : f32
          %parallel_loop3A_264 = vector.broadcast %parallel_loop3A_263 : f32 to vector<16xf32>
          %parallel_loop3A_265 = arith.addf %parallel_loop3A_262, %parallel_loop3A_264 : vector<16xf32>
          %parallel_loop3A_266 = arith.mulf %parallel_loop3A_265, %parallel_loop3A_265 : vector<16xf32>
          %parallel_loop3A_267 = arith.addf %parallel_loop3A_183, %parallel_loop3A_266 : vector<16xf32>
          %parallel_loop3A_268 = arith.constant 16 : i32
          %parallel_loop3A_269 = arith.muli %scan3A_154, %parallel_loop3A_268 : i32
          %parallel_loop3A_270 = arith.constant 5 : i32
          %parallel_loop3A_271 = arith.addi %parallel_loop3A_269, %parallel_loop3A_270 : i32
          %parallel_loop3A_272 = arith.index_cast %parallel_loop3A_271 : i32 to index
          %parallel_loop3A_273 = arith.index_cast %parallel_loop3A_92 : i32 to index
          %parallel_loop3A_274 = tpu.vector_load %arg10[%parallel_loop3A_272, %parallel_loop3A_273] {strides = array<i32>} : memref<64x128xf32, #tpu.memory_space<vmem>>, vector<16xf32>,
          %parallel_loop3A_275 = arith.index_cast %parallel_loop3A_271 : i32 to index
          %parallel_loop3A_276 = arith.index_cast %parallel_loop3A_92 : i32 to index
          %parallel_loop3A_277 = tpu.vector_load %arg11[%parallel_loop3A_275, %parallel_loop3A_276] {strides = array<i32>} : memref<64x128xf32, #tpu.memory_space<vmem>>, vector<16xf32>,
          %parallel_loop3A_278 = arith.constant 5120 : i32
          %parallel_loop3A_279 = vector.broadcast %parallel_loop3A_278 : i32 to vector<16xi32>
          %parallel_loop3A_280 = arith.addi %parallel_loop3A_162, %parallel_loop3A_279 : vector<16xi32>
          %parallel_loop3A_281 = tpu.vector_load_idx %arg9[%parallel_loop3A_280] : memref<65536xf32, #tpu.memory_space<vmem>>[vector<16xi32>], vector<16xf32>,
          %parallel_loop3A_282 = arith.addf %parallel_loop3A_274, %parallel_loop3A_281 : vector<16xf32>
          %parallel_loop3A_283 = arith.subf %parallel_loop3A_282, %parallel_loop3A_277 : vector<16xf32>
          %parallel_loop3A_284 = arith.constant 9.99999997E-7 : f32
          %parallel_loop3A_285 = vector.broadcast %parallel_loop3A_284 : f32 to vector<16xf32>
          %parallel_loop3A_286 = arith.addf %parallel_loop3A_283, %parallel_loop3A_285 : vector<16xf32>
          %parallel_loop3A_287 = arith.mulf %parallel_loop3A_286, %parallel_loop3A_286 : vector<16xf32>
          %parallel_loop3A_288 = arith.addf %parallel_loop3A_204, %parallel_loop3A_287 : vector<16xf32>
          %parallel_loop3A_289 = arith.constant 16 : i32
          %parallel_loop3A_290 = arith.muli %scan3A_154, %parallel_loop3A_289 : i32
          %parallel_loop3A_291 = arith.constant 6 : i32
          %parallel_loop3A_292 = arith.addi %parallel_loop3A_290, %parallel_loop3A_291 : i32
          %parallel_loop3A_293 = arith.index_cast %parallel_loop3A_292 : i32 to index
          %parallel_loop3A_294 = arith.index_cast %parallel_loop3A_92 : i32 to index
          %parallel_loop3A_295 = tpu.vector_load %arg10[%parallel_loop3A_293, %parallel_loop3A_294] {strides = array<i32>} : memref<64x128xf32, #tpu.memory_space<vmem>>, vector<16xf32>,
          %parallel_loop3A_296 = arith.index_cast %parallel_loop3A_292 : i32 to index
          %parallel_loop3A_297 = arith.index_cast %parallel_loop3A_92 : i32 to index
          %parallel_loop3A_298 = tpu.vector_load %arg11[%parallel_loop3A_296, %parallel_loop3A_297] {strides = array<i32>} : memref<64x128xf32, #tpu.memory_space<vmem>>, vector<16xf32>,
          %parallel_loop3A_299 = arith.constant 6144 : i32
          %parallel_loop3A_300 = vector.broadcast %parallel_loop3A_299 : i32 to vector<16xi32>
          %parallel_loop3A_301 = arith.addi %parallel_loop3A_162, %parallel_loop3A_300 : vector<16xi32>
          %parallel_loop3A_302 = tpu.vector_load_idx %arg9[%parallel_loop3A_301] : memref<65536xf32, #tpu.memory_space<vmem>>[vector<16xi32>], vector<16xf32>,
          %parallel_loop3A_303 = arith.addf %parallel_loop3A_295, %parallel_loop3A_302 : vector<16xf32>
          %parallel_loop3A_304 = arith.subf %parallel_loop3A_303, %parallel_loop3A_298 : vector<16xf32>
          %parallel_loop3A_305 = arith.constant 9.99999997E-7 : f32
          %parallel_loop3A_306 = vector.broadcast %parallel_loop3A_305 : f32 to vector<16xf32>
          %parallel_loop3A_307 = arith.addf %parallel_loop3A_304, %parallel_loop3A_306 : vector<16xf32>
          %parallel_loop3A_308 = arith.mulf %parallel_loop3A_307, %parallel_loop3A_307 : vector<16xf32>
          %parallel_loop3A_309 = arith.addf %parallel_loop3A_225, %parallel_loop3A_308 : vector<16xf32>
          %parallel_loop3A_310 = arith.constant 16 : i32
          %parallel_loop3A_311 = arith.muli %scan3A_154, %parallel_loop3A_310 : i32
          %parallel_loop3A_312 = arith.constant 7 : i32
          %parallel_loop3A_313 = arith.addi %parallel_loop3A_311, %parallel_loop3A_312 : i32
          %parallel_loop3A_314 = arith.index_cast %parallel_loop3A_313 : i32 to index
          %parallel_loop3A_315 = arith.index_cast %parallel_loop3A_92 : i32 to index
          %parallel_loop3A_316 = tpu.vector_load %arg10[%parallel_loop3A_314, %parallel_loop3A_315] {strides = array<i32>} : memref<64x128xf32, #tpu.memory_space<vmem>>, vector<16xf32>,
          %parallel_loop3A_317 = arith.index_cast %parallel_loop3A_313 : i32 to index
          %parallel_loop3A_318 = arith.index_cast %parallel_loop3A_92 : i32 to index
          %parallel_loop3A_319 = tpu.vector_load %arg11[%parallel_loop3A_317, %parallel_loop3A_318] {strides = array<i32>} : memref<64x128xf32, #tpu.memory_space<vmem>>, vector<16xf32>,
          %parallel_loop3A_320 = arith.constant 7168 : i32
          %parallel_loop3A_321 = vector.broadcast %parallel_loop3A_320 : i32 to vector<16xi32>
          %parallel_loop3A_322 = arith.addi %parallel_loop3A_162, %parallel_loop3A_321 : vector<16xi32>
          %parallel_loop3A_323 = tpu.vector_load_idx %arg9[%parallel_loop3A_322] : memref<65536xf32, #tpu.memory_space<vmem>>[vector<16xi32>], vector<16xf32>,
          %parallel_loop3A_324 = arith.addf %parallel_loop3A_316, %parallel_loop3A_323 : vector<16xf32>
          %parallel_loop3A_325 = arith.subf %parallel_loop3A_324, %parallel_loop3A_319 : vector<16xf32>
          %parallel_loop3A_326 = arith.constant 9.99999997E-7 : f32
          %parallel_loop3A_327 = vector.broadcast %parallel_loop3A_326 : f32 to vector<16xf32>
          %parallel_loop3A_328 = arith.addf %parallel_loop3A_325, %parallel_loop3A_327 : vector<16xf32>
          %parallel_loop3A_329 = arith.mulf %parallel_loop3A_328, %parallel_loop3A_328 : vector<16xf32>
          %parallel_loop3A_330 = arith.addf %parallel_loop3A_246, %parallel_loop3A_329 : vector<16xf32>
          %parallel_loop3A_331 = arith.constant 16 : i32
          %parallel_loop3A_332 = arith.muli %scan3A_154, %parallel_loop3A_331 : i32
          %parallel_loop3A_333 = arith.constant 8 : i32
          %parallel_loop3A_334 = arith.addi %parallel_loop3A_332, %parallel_loop3A_333 : i32
          %parallel_loop3A_335 = arith.index_cast %parallel_loop3A_334 : i32 to index
          %parallel_loop3A_336 = arith.index_cast %parallel_loop3A_92 : i32 to index
          %parallel_loop3A_337 = tpu.vector_load %arg10[%parallel_loop3A_335, %parallel_loop3A_336] {strides = array<i32>} : memref<64x128xf32, #tpu.memory_space<vmem>>, vector<16xf32>,
          %parallel_loop3A_338 = arith.index_cast %parallel_loop3A_334 : i32 to index
          %parallel_loop3A_339 = arith.index_cast %parallel_loop3A_92 : i32 to index
          %parallel_loop3A_340 = tpu.vector_load %arg11[%parallel_loop3A_338, %parallel_loop3A_339] {strides = array<i32>} : memref<64x128xf32, #tpu.memory_space<vmem>>, vector<16xf32>,
          %parallel_loop3A_341 = arith.constant 8192 : i32
          %parallel_loop3A_342 = vector.broadcast %parallel_loop3A_341 : i32 to vector<16xi32>
          %parallel_loop3A_343 = arith.addi %parallel_loop3A_162, %parallel_loop3A_342 : vector<16xi32>
          %parallel_loop3A_344 = tpu.vector_load_idx %arg9[%parallel_loop3A_343] : memref<65536xf32, #tpu.memory_space<vmem>>[vector<16xi32>], vector<16xf32>,
          %parallel_loop3A_345 = arith.addf %parallel_loop3A_337, %parallel_loop3A_344 : vector<16xf32>
          %parallel_loop3A_346 = arith.subf %parallel_loop3A_345, %parallel_loop3A_340 : vector<16xf32>
          %parallel_loop3A_347 = arith.constant 9.99999997E-7 : f32
          %parallel_loop3A_348 = vector.broadcast %parallel_loop3A_347 : f32 to vector<16xf32>
          %parallel_loop3A_349 = arith.addf %parallel_loop3A_346, %parallel_loop3A_348 : vector<16xf32>
          %parallel_loop3A_350 = arith.mulf %parallel_loop3A_349, %parallel_loop3A_349 : vector<16xf32>
          %parallel_loop3A_351 = arith.addf %parallel_loop3A_267, %parallel_loop3A_350 : vector<16xf32>
          %parallel_loop3A_352 = arith.constant 16 : i32
          %parallel_loop3A_353 = arith.muli %scan3A_154, %parallel_loop3A_352 : i32
          %parallel_loop3A_354 = arith.constant 9 : i32
          %parallel_loop3A_355 = arith.addi %parallel_loop3A_353, %parallel_loop3A_354 : i32
          %parallel_loop3A_356 = arith.index_cast %parallel_loop3A_355 : i32 to index
          %parallel_loop3A_357 = arith.index_cast %parallel_loop3A_92 : i32 to index
          %parallel_loop3A_358 = tpu.vector_load %arg10[%parallel_loop3A_356, %parallel_loop3A_357] {strides = array<i32>} : memref<64x128xf32, #tpu.memory_space<vmem>>, vector<16xf32>,
          %parallel_loop3A_359 = arith.index_cast %parallel_loop3A_355 : i32 to index
          %parallel_loop3A_360 = arith.index_cast %parallel_loop3A_92 : i32 to index
          %parallel_loop3A_361 = tpu.vector_load %arg11[%parallel_loop3A_359, %parallel_loop3A_360] {strides = array<i32>} : memref<64x128xf32, #tpu.memory_space<vmem>>, vector<16xf32>,
          %parallel_loop3A_362 = arith.constant 9216 : i32
          %parallel_loop3A_363 = vector.broadcast %parallel_loop3A_362 : i32 to vector<16xi32>
          %parallel_loop3A_364 = arith.addi %parallel_loop3A_162, %parallel_loop3A_363 : vector<16xi32>
          %parallel_loop3A_365 = tpu.vector_load_idx %arg9[%parallel_loop3A_364] : memref<65536xf32, #tpu.memory_space<vmem>>[vector<16xi32>], vector<16xf32>,
          %parallel_loop3A_366 = arith.addf %parallel_loop3A_358, %parallel_loop3A_365 : vector<16xf32>
          %parallel_loop3A_367 = arith.subf %parallel_loop3A_366, %parallel_loop3A_361 : vector<16xf32>
          %parallel_loop3A_368 = arith.constant 9.99999997E-7 : f32
          %parallel_loop3A_369 = vector.broadcast %parallel_loop3A_368 : f32 to vector<16xf32>
          %parallel_loop3A_370 = arith.addf %parallel_loop3A_367, %parallel_loop3A_369 : vector<16xf32>
          %parallel_loop3A_371 = arith.mulf %parallel_loop3A_370, %parallel_loop3A_370 : vector<16xf32>
          %parallel_loop3A_372 = arith.addf %parallel_loop3A_288, %parallel_loop3A_371 : vector<16xf32>
          %parallel_loop3A_373 = arith.constant 16 : i32
          %parallel_loop3A_374 = arith.muli %scan3A_154, %parallel_loop3A_373 : i32
          %parallel_loop3A_375 = arith.constant 10 : i32
          %parallel_loop3A_376 = arith.addi %parallel_loop3A_374, %parallel_loop3A_375 : i32
          %parallel_loop3A_377 = arith.index_cast %parallel_loop3A_376 : i32 to index
          %parallel_loop3A_378 = arith.index_cast %parallel_loop3A_92 : i32 to index
          %parallel_loop3A_379 = tpu.vector_load %arg10[%parallel_loop3A_377, %parallel_loop3A_378] {strides = array<i32>} : memref<64x128xf32, #tpu.memory_space<vmem>>, vector<16xf32>,
          %parallel_loop3A_380 = arith.index_cast %parallel_loop3A_376 : i32 to index
          %parallel_loop3A_381 = arith.index_cast %parallel_loop3A_92 : i32 to index
          %parallel_loop3A_382 = tpu.vector_load %arg11[%parallel_loop3A_380, %parallel_loop3A_381] {strides = array<i32>} : memref<64x128xf32, #tpu.memory_space<vmem>>, vector<16xf32>,
          %parallel_loop3A_383 = arith.constant 10240 : i32
          %parallel_loop3A_384 = vector.broadcast %parallel_loop3A_383 : i32 to vector<16xi32>
          %parallel_loop3A_385 = arith.addi %parallel_loop3A_162, %parallel_loop3A_384 : vector<16xi32>
          %parallel_loop3A_386 = tpu.vector_load_idx %arg9[%parallel_loop3A_385] : memref<65536xf32, #tpu.memory_space<vmem>>[vector<16xi32>], vector<16xf32>,
          %parallel_loop3A_387 = arith.addf %parallel_loop3A_379, %parallel_loop3A_386 : vector<16xf32>
          %parallel_loop3A_388 = arith.subf %parallel_loop3A_387, %parallel_loop3A_382 : vector<16xf32>
          %parallel_loop3A_389 = arith.constant 9.99999997E-7 : f32
          %parallel_loop3A_390 = vector.broadcast %parallel_loop3A_389 : f32 to vector<16xf32>
          %parallel_loop3A_391 = arith.addf %parallel_loop3A_388, %parallel_loop3A_390 : vector<16xf32>
          %parallel_loop3A_392 = arith.mulf %parallel_loop3A_391, %parallel_loop3A_391 : vector<16xf32>
          %parallel_loop3A_393 = arith.addf %parallel_loop3A_309, %parallel_loop3A_392 : vector<16xf32>
          %parallel_loop3A_394 = arith.constant 16 : i32
          %parallel_loop3A_395 = arith.muli %scan3A_154, %parallel_loop3A_394 : i32
          %parallel_loop3A_396 = arith.constant 11 : i32
          %parallel_loop3A_397 = arith.addi %parallel_loop3A_395, %parallel_loop3A_396 : i32
          %parallel_loop3A_398 = arith.index_cast %parallel_loop3A_397 : i32 to index
          %parallel_loop3A_399 = arith.index_cast %parallel_loop3A_92 : i32 to index
          %parallel_loop3A_400 = tpu.vector_load %arg10[%parallel_loop3A_398, %parallel_loop3A_399] {strides = array<i32>} : memref<64x128xf32, #tpu.memory_space<vmem>>, vector<16xf32>,
          %parallel_loop3A_401 = arith.index_cast %parallel_loop3A_397 : i32 to index
          %parallel_loop3A_402 = arith.index_cast %parallel_loop3A_92 : i32 to index
          %parallel_loop3A_403 = tpu.vector_load %arg11[%parallel_loop3A_401, %parallel_loop3A_402] {strides = array<i32>} : memref<64x128xf32, #tpu.memory_space<vmem>>, vector<16xf32>,
          %parallel_loop3A_404 = arith.constant 11264 : i32
          %parallel_loop3A_405 = vector.broadcast %parallel_loop3A_404 : i32 to vector<16xi32>
          %parallel_loop3A_406 = arith.addi %parallel_loop3A_162, %parallel_loop3A_405 : vector<16xi32>
          %parallel_loop3A_407 = tpu.vector_load_idx %arg9[%parallel_loop3A_406] : memref<65536xf32, #tpu.memory_space<vmem>>[vector<16xi32>], vector<16xf32>,
          %parallel_loop3A_408 = arith.addf %parallel_loop3A_400, %parallel_loop3A_407 : vector<16xf32>
          %parallel_loop3A_409 = arith.subf %parallel_loop3A_408, %parallel_loop3A_403 : vector<16xf32>
          %parallel_loop3A_410 = arith.constant 9.99999997E-7 : f32
          %parallel_loop3A_411 = vector.broadcast %parallel_loop3A_410 : f32 to vector<16xf32>
          %parallel_loop3A_412 = arith.addf %parallel_loop3A_409, %parallel_loop3A_411 : vector<16xf32>
          %parallel_loop3A_413 = arith.mulf %parallel_loop3A_412, %parallel_loop3A_412 : vector<16xf32>
          %parallel_loop3A_414 = arith.addf %parallel_loop3A_330, %parallel_loop3A_413 : vector<16xf32>
          %parallel_loop3A_415 = arith.constant 16 : i32
          %parallel_loop3A_416 = arith.muli %scan3A_154, %parallel_loop3A_415 : i32
          %parallel_loop3A_417 = arith.constant 12 : i32
          %parallel_loop3A_418 = arith.addi %parallel_loop3A_416, %parallel_loop3A_417 : i32
          %parallel_loop3A_419 = arith.index_cast %parallel_loop3A_418 : i32 to index
          %parallel_loop3A_420 = arith.index_cast %parallel_loop3A_92 : i32 to index
          %parallel_loop3A_421 = tpu.vector_load %arg10[%parallel_loop3A_419, %parallel_loop3A_420] {strides = array<i32>} : memref<64x128xf32, #tpu.memory_space<vmem>>, vector<16xf32>,
          %parallel_loop3A_422 = arith.index_cast %parallel_loop3A_418 : i32 to index
          %parallel_loop3A_423 = arith.index_cast %parallel_loop3A_92 : i32 to index
          %parallel_loop3A_424 = tpu.vector_load %arg11[%parallel_loop3A_422, %parallel_loop3A_423] {strides = array<i32>} : memref<64x128xf32, #tpu.memory_space<vmem>>, vector<16xf32>,
          %parallel_loop3A_425 = arith.constant 12288 : i32
          %parallel_loop3A_426 = vector.broadcast %parallel_loop3A_425 : i32 to vector<16xi32>
          %parallel_loop3A_427 = arith.addi %parallel_loop3A_162, %parallel_loop3A_426 : vector<16xi32>
          %parallel_loop3A_428 = tpu.vector_load_idx %arg9[%parallel_loop3A_427] : memref<65536xf32, #tpu.memory_space<vmem>>[vector<16xi32>], vector<16xf32>,
          %parallel_loop3A_429 = arith.addf %parallel_loop3A_421, %parallel_loop3A_428 : vector<16xf32>
          %parallel_loop3A_430 = arith.subf %parallel_loop3A_429, %parallel_loop3A_424 : vector<16xf32>
          %parallel_loop3A_431 = arith.constant 9.99999997E-7 : f32
          %parallel_loop3A_432 = vector.broadcast %parallel_loop3A_431 : f32 to vector<16xf32>
          %parallel_loop3A_433 = arith.addf %parallel_loop3A_430, %parallel_loop3A_432 : vector<16xf32>
          %parallel_loop3A_434 = arith.mulf %parallel_loop3A_433, %parallel_loop3A_433 : vector<16xf32>
          %parallel_loop3A_435 = arith.addf %parallel_loop3A_351, %parallel_loop3A_434 : vector<16xf32>
          %parallel_loop3A_436 = arith.constant 16 : i32
          %parallel_loop3A_437 = arith.muli %scan3A_154, %parallel_loop3A_436 : i32
          %parallel_loop3A_438 = arith.constant 13 : i32
          %parallel_loop3A_439 = arith.addi %parallel_loop3A_437, %parallel_loop3A_438 : i32
          %parallel_loop3A_440 = arith.index_cast %parallel_loop3A_439 : i32 to index
          %parallel_loop3A_441 = arith.index_cast %parallel_loop3A_92 : i32 to index
          %parallel_loop3A_442 = tpu.vector_load %arg10[%parallel_loop3A_440, %parallel_loop3A_441] {strides = array<i32>} : memref<64x128xf32, #tpu.memory_space<vmem>>, vector<16xf32>,
          %parallel_loop3A_443 = arith.index_cast %parallel_loop3A_439 : i32 to index
          %parallel_loop3A_444 = arith.index_cast %parallel_loop3A_92 : i32 to index
          %parallel_loop3A_445 = tpu.vector_load %arg11[%parallel_loop3A_443, %parallel_loop3A_444] {strides = array<i32>} : memref<64x128xf32, #tpu.memory_space<vmem>>, vector<16xf32>,
          %parallel_loop3A_446 = arith.constant 13312 : i32
          %parallel_loop3A_447 = vector.broadcast %parallel_loop3A_446 : i32 to vector<16xi32>
          %parallel_loop3A_448 = arith.addi %parallel_loop3A_162, %parallel_loop3A_447 : vector<16xi32>
          %parallel_loop3A_449 = tpu.vector_load_idx %arg9[%parallel_loop3A_448] : memref<65536xf32, #tpu.memory_space<vmem>>[vector<16xi32>], vector<16xf32>,
          %parallel_loop3A_450 = arith.addf %parallel_loop3A_442, %parallel_loop3A_449 : vector<16xf32>
          %parallel_loop3A_451 = arith.subf %parallel_loop3A_450, %parallel_loop3A_445 : vector<16xf32>
          %parallel_loop3A_452 = arith.constant 9.99999997E-7 : f32
          %parallel_loop3A_453 = vector.broadcast %parallel_loop3A_452 : f32 to vector<16xf32>
          %parallel_loop3A_454 = arith.addf %parallel_loop3A_451, %parallel_loop3A_453 : vector<16xf32>
          %parallel_loop3A_455 = arith.mulf %parallel_loop3A_454, %parallel_loop3A_454 : vector<16xf32>
          %parallel_loop3A_456 = arith.addf %parallel_loop3A_372, %parallel_loop3A_455 : vector<16xf32>
          %parallel_loop3A_457 = arith.constant 16 : i32
          %parallel_loop3A_458 = arith.muli %scan3A_154, %parallel_loop3A_457 : i32
          %parallel_loop3A_459 = arith.constant 14 : i32
          %parallel_loop3A_460 = arith.addi %parallel_loop3A_458, %parallel_loop3A_459 : i32
          %parallel_loop3A_461 = arith.index_cast %parallel_loop3A_460 : i32 to index
          %parallel_loop3A_462 = arith.index_cast %parallel_loop3A_92 : i32 to index
          %parallel_loop3A_463 = tpu.vector_load %arg10[%parallel_loop3A_461, %parallel_loop3A_462] {strides = array<i32>} : memref<64x128xf32, #tpu.memory_space<vmem>>, vector<16xf32>,
          %parallel_loop3A_464 = arith.index_cast %parallel_loop3A_460 : i32 to index
          %parallel_loop3A_465 = arith.index_cast %parallel_loop3A_92 : i32 to index
          %parallel_loop3A_466 = tpu.vector_load %arg11[%parallel_loop3A_464, %parallel_loop3A_465] {strides = array<i32>} : memref<64x128xf32, #tpu.memory_space<vmem>>, vector<16xf32>,
          %parallel_loop3A_467 = arith.constant 14336 : i32
          %parallel_loop3A_468 = vector.broadcast %parallel_loop3A_467 : i32 to vector<16xi32>
          %parallel_loop3A_469 = arith.addi %parallel_loop3A_162, %parallel_loop3A_468 : vector<16xi32>
          %parallel_loop3A_470 = tpu.vector_load_idx %arg9[%parallel_loop3A_469] : memref<65536xf32, #tpu.memory_space<vmem>>[vector<16xi32>], vector<16xf32>,
          %parallel_loop3A_471 = arith.addf %parallel_loop3A_463, %parallel_loop3A_470 : vector<16xf32>
          %parallel_loop3A_472 = arith.subf %parallel_loop3A_471, %parallel_loop3A_466 : vector<16xf32>
          %parallel_loop3A_473 = arith.constant 9.99999997E-7 : f32
          %parallel_loop3A_474 = vector.broadcast %parallel_loop3A_473 : f32 to vector<16xf32>
          %parallel_loop3A_475 = arith.addf %parallel_loop3A_472, %parallel_loop3A_474 : vector<16xf32>
          %parallel_loop3A_476 = arith.mulf %parallel_loop3A_475, %parallel_loop3A_475 : vector<16xf32>
          %parallel_loop3A_477 = arith.addf %parallel_loop3A_393, %parallel_loop3A_476 : vector<16xf32>
          %parallel_loop3A_478 = arith.constant 16 : i32
          %parallel_loop3A_479 = arith.muli %scan3A_154, %parallel_loop3A_478 : i32
          %parallel_loop3A_480 = arith.constant 15 : i32
          %parallel_loop3A_481 = arith.addi %parallel_loop3A_479, %parallel_loop3A_480 : i32
          %parallel_loop3A_482 = arith.index_cast %parallel_loop3A_481 : i32 to index
          %parallel_loop3A_483 = arith.index_cast %parallel_loop3A_92 : i32 to index
          %parallel_loop3A_484 = tpu.vector_load %arg10[%parallel_loop3A_482, %parallel_loop3A_483] {strides = array<i32>} : memref<64x128xf32, #tpu.memory_space<vmem>>, vector<16xf32>,
          %parallel_loop3A_485 = arith.index_cast %parallel_loop3A_481 : i32 to index
          %parallel_loop3A_486 = arith.index_cast %parallel_loop3A_92 : i32 to index
          %parallel_loop3A_487 = tpu.vector_load %arg11[%parallel_loop3A_485, %parallel_loop3A_486] {strides = array<i32>} : memref<64x128xf32, #tpu.memory_space<vmem>>, vector<16xf32>,
          %parallel_loop3A_488 = arith.constant 15360 : i32
          %parallel_loop3A_489 = vector.broadcast %parallel_loop3A_488 : i32 to vector<16xi32>
          %parallel_loop3A_490 = arith.addi %parallel_loop3A_162, %parallel_loop3A_489 : vector<16xi32>
          %parallel_loop3A_491 = tpu.vector_load_idx %arg9[%parallel_loop3A_490] : memref<65536xf32, #tpu.memory_space<vmem>>[vector<16xi32>], vector<16xf32>,
          %parallel_loop3A_492 = arith.addf %parallel_loop3A_484, %parallel_loop3A_491 : vector<16xf32>
          %parallel_loop3A_493 = arith.subf %parallel_loop3A_492, %parallel_loop3A_487 : vector<16xf32>
          %parallel_loop3A_494 = arith.constant 9.99999997E-7 : f32
          %parallel_loop3A_495 = vector.broadcast %parallel_loop3A_494 : f32 to vector<16xf32>
          %parallel_loop3A_496 = arith.addf %parallel_loop3A_493, %parallel_loop3A_495 : vector<16xf32>
          %parallel_loop3A_497 = arith.mulf %parallel_loop3A_496, %parallel_loop3A_496 : vector<16xf32>
          %parallel_loop3A_498 = arith.addf %parallel_loop3A_414, %parallel_loop3A_497 : vector<16xf32>
          scf.yield %parallel_loop3A_435, %parallel_loop3A_456, %parallel_loop3A_477, %parallel_loop3A_498 : vector<16xf32>, vector<16xf32>, vector<16xf32>, vector<16xf32>
        }
        %parallel_loop3A_109 = arith.constant 4 : i32
        %parallel_loop3A_110 = arith.addf %parallel_loop3A_108#0, %parallel_loop3A_108#1 : vector<16xf32>
        %parallel_loop3A_111 = arith.addf %parallel_loop3A_108#2, %parallel_loop3A_108#3 : vector<16xf32>
        %parallel_loop3A_112 = arith.addf %parallel_loop3A_110, %parallel_loop3A_111 : vector<16xf32>
        %parallel_loop3A_113 = tpu.bitcast %parallel_loop3A_112 : vector<16xf32> -> vector<16xi32>
        %parallel_loop3A_114 = arith.constant 1 : i32
        %parallel_loop3A_115 = vector.broadcast %parallel_loop3A_114 : i32 to vector<16xi32>
        %parallel_loop3A_116 = arith.shrsi %parallel_loop3A_113, %parallel_loop3A_115 : vector<16xi32>
        %parallel_loop3A_117 = arith.constant 1597463007 : i32
        %parallel_loop3A_118 = vector.broadcast %parallel_loop3A_117 : i32 to vector<16xi32>
        %parallel_loop3A_119 = arith.subi %parallel_loop3A_118, %parallel_loop3A_116 : vector<16xi32>
        %parallel_loop3A_120 = tpu.bitcast %parallel_loop3A_119 : vector<16xi32> -> vector<16xf32>
        %parallel_loop3A_121 = arith.constant 5.000000e-01 : f32
        %parallel_loop3A_122 = vector.broadcast %parallel_loop3A_121 : f32 to vector<16xf32>
        %parallel_loop3A_123 = arith.mulf %parallel_loop3A_122, %parallel_loop3A_112 : vector<16xf32>
        %parallel_loop3A_124 = arith.mulf %parallel_loop3A_123, %parallel_loop3A_120 : vector<16xf32>
        %parallel_loop3A_125 = arith.mulf %parallel_loop3A_124, %parallel_loop3A_120 : vector<16xf32>
        %parallel_loop3A_126 = arith.constant 1.500000e+00 : f32
        %parallel_loop3A_127 = vector.broadcast %parallel_loop3A_126 : f32 to vector<16xf32>
        %parallel_loop3A_128 = arith.subf %parallel_loop3A_127, %parallel_loop3A_125 : vector<16xf32>
        %parallel_loop3A_129 = arith.mulf %parallel_loop3A_120, %parallel_loop3A_128 : vector<16xf32>
        %parallel_loop3A_130 = arith.constant 5.000000e-01 : f32
        %parallel_loop3A_131 = vector.broadcast %parallel_loop3A_130 : f32 to vector<16xf32>
        %parallel_loop3A_132 = arith.mulf %parallel_loop3A_131, %parallel_loop3A_112 : vector<16xf32>
        %parallel_loop3A_133 = arith.mulf %parallel_loop3A_132, %parallel_loop3A_129 : vector<16xf32>
        %parallel_loop3A_134 = arith.mulf %parallel_loop3A_133, %parallel_loop3A_129 : vector<16xf32>
        %parallel_loop3A_135 = arith.constant 1.500000e+00 : f32
        %parallel_loop3A_136 = vector.broadcast %parallel_loop3A_135 : f32 to vector<16xf32>
        %parallel_loop3A_137 = arith.subf %parallel_loop3A_136, %parallel_loop3A_134 : vector<16xf32>
        %parallel_loop3A_138 = arith.mulf %parallel_loop3A_129, %parallel_loop3A_137 : vector<16xf32>
        %parallel_loop3A_139 = arith.constant 5.000000e-01 : f32
        %parallel_loop3A_140 = vector.broadcast %parallel_loop3A_139 : f32 to vector<16xf32>
        %parallel_loop3A_141 = arith.mulf %parallel_loop3A_140, %parallel_loop3A_112 : vector<16xf32>
        %parallel_loop3A_142 = arith.mulf %parallel_loop3A_141, %parallel_loop3A_138 : vector<16xf32>
        %parallel_loop3A_143 = arith.mulf %parallel_loop3A_142, %parallel_loop3A_138 : vector<16xf32>
        %parallel_loop3A_144 = arith.constant 1.500000e+00 : f32
        %parallel_loop3A_145 = vector.broadcast %parallel_loop3A_144 : f32 to vector<16xf32>
        %parallel_loop3A_146 = arith.subf %parallel_loop3A_145, %parallel_loop3A_143 : vector<16xf32>
        %parallel_loop3A_147 = arith.mulf %parallel_loop3A_138, %parallel_loop3A_146 : vector<16xf32>
        %parallel_loop3A_148 = arith.mulf %parallel_loop3A_112, %parallel_loop3A_147 : vector<16xf32>
        %parallel_loop3A_149 = arith.constant 128 : i32
        %parallel_loop3A_150 = arith.muli %add3A_46, %parallel_loop3A_149 : i32
        %parallel_loop3A_151 = arith.addi %parallel_loop3A_150, %parallel_loop3A_92 : i32
        %parallel_loop3A_152 = arith.index_cast %parallel_loop3A_151 : i32 to index
        %parallel_loop3A_153 = tpu.vector_load %arg14[%parallel_loop3A_152] {strides = array<i32>} : memref<512xf32, #tpu.memory_space<vmem>>, vector<16xf32>,
        tpu.vector_store %arg14[%parallel_loop3A_152], %parallel_loop3A_148 {strides = array<i32>} : memref<512xf32, #tpu.memory_space<vmem>>, vector<16xf32>,
      } {sc.loop_unroll_factor = 1 : i64, sc.parallel_access}
      %eq3A_61 = arith.constant 0 : i32
      %eq3A_62 = arith.cmpi eq, %scan3A_42, %eq3A_61 : i32
      %convert_element_type3A_63 = arith.extui %eq3A_62 : i1 to i32
      %cond3A_64 = arith.constant 0 : i32
      %cond3A_65 = arith.cmpi ne, %convert_element_type3A_63, %cond3A_64 : i32
      scf.if %cond3A_65 {
        %add3A_90 = arith.constant 2 : i32
        %add3A_91 = arith.addi %add3A_46, %add3A_90 : i32
        %mul3A_92 = arith.constant 128 : i32
        %mul3A_93 = arith.muli %add3A_91, %mul3A_92 : i32
        %add3A_94 = arith.addi %mul3A_2, %mul3A_93 : i32
        %dma_start3A_95 = arith.constant 0 : i32
        %dma_start3A_96 = tpu.memref_slice %arg2[%dma_start3A_95, %add3A_94] : memref<64x16384xf32, #tpu.memory_space<hbm>> -> memref<64x128xf32, #tpu.memory_space<hbm>>
        %dma_start3A_97 = arith.constant 0 : i32
        %dma_start3A_98 = tpu.memref_slice %arg2[%dma_start3A_97, %add3A_94] : memref<64x16384xf32, #tpu.memory_space<hbm>> -> memref<64x128xf32, #tpu.memory_space<hbm>>
        tpu.enqueue_dma source(%dma_start3A_98 : memref<64x128xf32, #tpu.memory_space<hbm>>) target(%arg10 : memref<64x128xf32, #tpu.memory_space<vmem>>) target_semaphore(%arg16 : memref<!tpu.dma_semaphore, #tpu.memory_space<semaphore_mem>>)
        %dma_start3A_99 = arith.constant 0 : i32
        %dma_start3A_100 = tpu.memref_slice %arg3[%dma_start3A_99, %add3A_94] : memref<64x16384xf32, #tpu.memory_space<hbm>> -> memref<64x128xf32, #tpu.memory_space<hbm>>
        %dma_start3A_101 = arith.constant 0 : i32
        %dma_start3A_102 = tpu.memref_slice %arg3[%dma_start3A_101, %add3A_94] : memref<64x16384xf32, #tpu.memory_space<hbm>> -> memref<64x128xf32, #tpu.memory_space<hbm>>
        tpu.enqueue_dma source(%dma_start3A_102 : memref<64x128xf32, #tpu.memory_space<hbm>>) target(%arg11 : memref<64x128xf32, #tpu.memory_space<vmem>>) target_semaphore(%arg16 : memref<!tpu.dma_semaphore, #tpu.memory_space<semaphore_mem>>)
      } else {
      }
      %mul3A_66 = arith.constant 2 : i32
      %mul3A_67 = arith.muli %scan3A_42, %mul3A_66 : i32
      %add3A_68 = arith.constant 1 : i32
      %add3A_69 = arith.addi %mul3A_67, %add3A_68 : i32
      %dma_wait3A_70 = arith.constant 0 : i32
      %dma_wait3A_71 = arith.constant 0 : i32
      %dma_wait3A_72 = tpu.memref_slice %arg2[%dma_wait3A_70, %dma_wait3A_71] : memref<64x16384xf32, #tpu.memory_space<hbm>> -> memref<64x128xf32, #tpu.memory_space<hbm>>
      %dma_wait3A_73 = arith.constant 0 : i32
      %dma_wait3A_74 = arith.constant 0 : i32
      %dma_wait3A_75 = tpu.memref_slice %arg2[%dma_wait3A_73, %dma_wait3A_74] : memref<64x16384xf32, #tpu.memory_space<hbm>> -> memref<64x128xf32, #tpu.memory_space<hbm>>
      tpu.wait_dma2 semaphore(%arg17 : memref<!tpu.dma_semaphore, #tpu.memory_space<semaphore_mem>>) src(%dma_wait3A_75 : memref<64x128xf32, #tpu.memory_space<hbm>>) dst(%arg12 : memref<64x128xf32, #tpu.memory_space<vmem>>)
      %dma_wait3A_76 = arith.constant 0 : i32
      %dma_wait3A_77 = arith.constant 0 : i32
      %dma_wait3A_78 = tpu.memref_slice %arg3[%dma_wait3A_76, %dma_wait3A_77] : memref<64x16384xf32, #tpu.memory_space<hbm>> -> memref<64x128xf32, #tpu.memory_space<hbm>>
      %dma_wait3A_79 = arith.constant 0 : i32
      %dma_wait3A_80 = arith.constant 0 : i32
      %dma_wait3A_81 = tpu.memref_slice %arg3[%dma_wait3A_79, %dma_wait3A_80] : memref<64x16384xf32, #tpu.memory_space<hbm>> -> memref<64x128xf32, #tpu.memory_space<hbm>>
      tpu.wait_dma2 semaphore(%arg17 : memref<!tpu.dma_semaphore, #tpu.memory_space<semaphore_mem>>) src(%dma_wait3A_81 : memref<64x128xf32, #tpu.memory_space<hbm>>) dst(%arg13 : memref<64x128xf32, #tpu.memory_space<vmem>>)
      %parallel_loop3A_82 = arith.constant 0 : i32
      %parallel_loop3A_83 = arith.constant 8 : i32
      %parallel_loop3A_84 = arith.constant 1 : i32
      scf.for %parallel_loop3A_90 = %parallel_loop3A_82 to %parallel_loop3A_83 step %parallel_loop3A_84  : i32 {
        %parallel_loop3A_91 = arith.constant 16 : i32
        %parallel_loop3A_92 = arith.muli %parallel_loop3A_90, %parallel_loop3A_91 : i32
        %parallel_loop3A_93 = arith.index_cast %add3A_69 : i32 to index
        %parallel_loop3A_94 = arith.index_cast %parallel_loop3A_92 : i32 to index
        %parallel_loop3A_95 = tpu.vector_load %arg7[%parallel_loop3A_93, %parallel_loop3A_94] {strides = array<i32>} : memref<4x128xi32, #tpu.memory_space<vmem>>, vector<16xi32>,
        %parallel_loop3A_96 = arith.constant 0.000000e+00 : f32
        %parallel_loop3A_97 = vector.broadcast %parallel_loop3A_96 : f32 to vector<16xf32>
        %parallel_loop3A_98 = arith.constant 0.000000e+00 : f32
        %parallel_loop3A_99 = vector.broadcast %parallel_loop3A_98 : f32 to vector<16xf32>
        %parallel_loop3A_100 = arith.constant 0.000000e+00 : f32
        %parallel_loop3A_101 = vector.broadcast %parallel_loop3A_100 : f32 to vector<16xf32>
        %parallel_loop3A_102 = arith.constant 0.000000e+00 : f32
        %parallel_loop3A_103 = vector.broadcast %parallel_loop3A_102 : f32 to vector<16xf32>
        %parallel_loop3A_104 = arith.constant 0 : i32
        %parallel_loop3A_105 = arith.constant 4 : i32
        %parallel_loop3A_106 = arith.addi %parallel_loop3A_104, %parallel_loop3A_105 : i32
        %parallel_loop3A_107 = arith.constant 1 : i32
        %parallel_loop3A_108:4 = scf.for %scan3A_154 = %parallel_loop3A_104 to %parallel_loop3A_106 step %parallel_loop3A_107 iter_args(%scan3A_155 = %parallel_loop3A_97, %scan3A_156 = %parallel_loop3A_99, %scan3A_157 = %parallel_loop3A_101, %scan3A_158 = %parallel_loop3A_103) -> (vector<16xf32>, vector<16xf32>, vector<16xf32>, vector<16xf32>)  : i32 {
          %parallel_loop3A_159 = arith.constant 16384 : i32
          %parallel_loop3A_160 = arith.muli %scan3A_154, %parallel_loop3A_159 : i32
          %parallel_loop3A_161 = vector.broadcast %parallel_loop3A_160 : i32 to vector<16xi32>
          %parallel_loop3A_162 = arith.addi %parallel_loop3A_95, %parallel_loop3A_161 : vector<16xi32>
          %parallel_loop3A_163 = arith.constant 16 : i32
          %parallel_loop3A_164 = arith.muli %scan3A_154, %parallel_loop3A_163 : i32
          %parallel_loop3A_165 = arith.constant 0 : i32
          %parallel_loop3A_166 = arith.addi %parallel_loop3A_164, %parallel_loop3A_165 : i32
          %parallel_loop3A_167 = arith.index_cast %parallel_loop3A_166 : i32 to index
          %parallel_loop3A_168 = arith.index_cast %parallel_loop3A_92 : i32 to index
          %parallel_loop3A_169 = tpu.vector_load %arg12[%parallel_loop3A_167, %parallel_loop3A_168] {strides = array<i32>} : memref<64x128xf32, #tpu.memory_space<vmem>>, vector<16xf32>,
          %parallel_loop3A_170 = arith.index_cast %parallel_loop3A_166 : i32 to index
          %parallel_loop3A_171 = arith.index_cast %parallel_loop3A_92 : i32 to index
          %parallel_loop3A_172 = tpu.vector_load %arg13[%parallel_loop3A_170, %parallel_loop3A_171] {strides = array<i32>} : memref<64x128xf32, #tpu.memory_space<vmem>>, vector<16xf32>,
          %parallel_loop3A_173 = arith.constant 0 : i32
          %parallel_loop3A_174 = vector.broadcast %parallel_loop3A_173 : i32 to vector<16xi32>
          %parallel_loop3A_175 = arith.addi %parallel_loop3A_162, %parallel_loop3A_174 : vector<16xi32>
          %parallel_loop3A_176 = tpu.vector_load_idx %arg9[%parallel_loop3A_175] : memref<65536xf32, #tpu.memory_space<vmem>>[vector<16xi32>], vector<16xf32>,
          %parallel_loop3A_177 = arith.addf %parallel_loop3A_169, %parallel_loop3A_176 : vector<16xf32>
          %parallel_loop3A_178 = arith.subf %parallel_loop3A_177, %parallel_loop3A_172 : vector<16xf32>
          %parallel_loop3A_179 = arith.constant 9.99999997E-7 : f32
          %parallel_loop3A_180 = vector.broadcast %parallel_loop3A_179 : f32 to vector<16xf32>
          %parallel_loop3A_181 = arith.addf %parallel_loop3A_178, %parallel_loop3A_180 : vector<16xf32>
          %parallel_loop3A_182 = arith.mulf %parallel_loop3A_181, %parallel_loop3A_181 : vector<16xf32>
          %parallel_loop3A_183 = arith.addf %scan3A_155, %parallel_loop3A_182 : vector<16xf32>
          %parallel_loop3A_184 = arith.constant 16 : i32
          %parallel_loop3A_185 = arith.muli %scan3A_154, %parallel_loop3A_184 : i32
          %parallel_loop3A_186 = arith.constant 1 : i32
          %parallel_loop3A_187 = arith.addi %parallel_loop3A_185, %parallel_loop3A_186 : i32
          %parallel_loop3A_188 = arith.index_cast %parallel_loop3A_187 : i32 to index
          %parallel_loop3A_189 = arith.index_cast %parallel_loop3A_92 : i32 to index
          %parallel_loop3A_190 = tpu.vector_load %arg12[%parallel_loop3A_188, %parallel_loop3A_189] {strides = array<i32>} : memref<64x128xf32, #tpu.memory_space<vmem>>, vector<16xf32>,
          %parallel_loop3A_191 = arith.index_cast %parallel_loop3A_187 : i32 to index
          %parallel_loop3A_192 = arith.index_cast %parallel_loop3A_92 : i32 to index
          %parallel_loop3A_193 = tpu.vector_load %arg13[%parallel_loop3A_191, %parallel_loop3A_192] {strides = array<i32>} : memref<64x128xf32, #tpu.memory_space<vmem>>, vector<16xf32>,
          %parallel_loop3A_194 = arith.constant 1024 : i32
          %parallel_loop3A_195 = vector.broadcast %parallel_loop3A_194 : i32 to vector<16xi32>
          %parallel_loop3A_196 = arith.addi %parallel_loop3A_162, %parallel_loop3A_195 : vector<16xi32>
          %parallel_loop3A_197 = tpu.vector_load_idx %arg9[%parallel_loop3A_196] : memref<65536xf32, #tpu.memory_space<vmem>>[vector<16xi32>], vector<16xf32>,
          %parallel_loop3A_198 = arith.addf %parallel_loop3A_190, %parallel_loop3A_197 : vector<16xf32>
          %parallel_loop3A_199 = arith.subf %parallel_loop3A_198, %parallel_loop3A_193 : vector<16xf32>
          %parallel_loop3A_200 = arith.constant 9.99999997E-7 : f32
          %parallel_loop3A_201 = vector.broadcast %parallel_loop3A_200 : f32 to vector<16xf32>
          %parallel_loop3A_202 = arith.addf %parallel_loop3A_199, %parallel_loop3A_201 : vector<16xf32>
          %parallel_loop3A_203 = arith.mulf %parallel_loop3A_202, %parallel_loop3A_202 : vector<16xf32>
          %parallel_loop3A_204 = arith.addf %scan3A_156, %parallel_loop3A_203 : vector<16xf32>
          %parallel_loop3A_205 = arith.constant 16 : i32
          %parallel_loop3A_206 = arith.muli %scan3A_154, %parallel_loop3A_205 : i32
          %parallel_loop3A_207 = arith.constant 2 : i32
          %parallel_loop3A_208 = arith.addi %parallel_loop3A_206, %parallel_loop3A_207 : i32
          %parallel_loop3A_209 = arith.index_cast %parallel_loop3A_208 : i32 to index
          %parallel_loop3A_210 = arith.index_cast %parallel_loop3A_92 : i32 to index
          %parallel_loop3A_211 = tpu.vector_load %arg12[%parallel_loop3A_209, %parallel_loop3A_210] {strides = array<i32>} : memref<64x128xf32, #tpu.memory_space<vmem>>, vector<16xf32>,
          %parallel_loop3A_212 = arith.index_cast %parallel_loop3A_208 : i32 to index
          %parallel_loop3A_213 = arith.index_cast %parallel_loop3A_92 : i32 to index
          %parallel_loop3A_214 = tpu.vector_load %arg13[%parallel_loop3A_212, %parallel_loop3A_213] {strides = array<i32>} : memref<64x128xf32, #tpu.memory_space<vmem>>, vector<16xf32>,
          %parallel_loop3A_215 = arith.constant 2048 : i32
          %parallel_loop3A_216 = vector.broadcast %parallel_loop3A_215 : i32 to vector<16xi32>
          %parallel_loop3A_217 = arith.addi %parallel_loop3A_162, %parallel_loop3A_216 : vector<16xi32>
          %parallel_loop3A_218 = tpu.vector_load_idx %arg9[%parallel_loop3A_217] : memref<65536xf32, #tpu.memory_space<vmem>>[vector<16xi32>], vector<16xf32>,
          %parallel_loop3A_219 = arith.addf %parallel_loop3A_211, %parallel_loop3A_218 : vector<16xf32>
          %parallel_loop3A_220 = arith.subf %parallel_loop3A_219, %parallel_loop3A_214 : vector<16xf32>
          %parallel_loop3A_221 = arith.constant 9.99999997E-7 : f32
          %parallel_loop3A_222 = vector.broadcast %parallel_loop3A_221 : f32 to vector<16xf32>
          %parallel_loop3A_223 = arith.addf %parallel_loop3A_220, %parallel_loop3A_222 : vector<16xf32>
          %parallel_loop3A_224 = arith.mulf %parallel_loop3A_223, %parallel_loop3A_223 : vector<16xf32>
          %parallel_loop3A_225 = arith.addf %scan3A_157, %parallel_loop3A_224 : vector<16xf32>
          %parallel_loop3A_226 = arith.constant 16 : i32
          %parallel_loop3A_227 = arith.muli %scan3A_154, %parallel_loop3A_226 : i32
          %parallel_loop3A_228 = arith.constant 3 : i32
          %parallel_loop3A_229 = arith.addi %parallel_loop3A_227, %parallel_loop3A_228 : i32
          %parallel_loop3A_230 = arith.index_cast %parallel_loop3A_229 : i32 to index
          %parallel_loop3A_231 = arith.index_cast %parallel_loop3A_92 : i32 to index
          %parallel_loop3A_232 = tpu.vector_load %arg12[%parallel_loop3A_230, %parallel_loop3A_231] {strides = array<i32>} : memref<64x128xf32, #tpu.memory_space<vmem>>, vector<16xf32>,
          %parallel_loop3A_233 = arith.index_cast %parallel_loop3A_229 : i32 to index
          %parallel_loop3A_234 = arith.index_cast %parallel_loop3A_92 : i32 to index
          %parallel_loop3A_235 = tpu.vector_load %arg13[%parallel_loop3A_233, %parallel_loop3A_234] {strides = array<i32>} : memref<64x128xf32, #tpu.memory_space<vmem>>, vector<16xf32>,
          %parallel_loop3A_236 = arith.constant 3072 : i32
          %parallel_loop3A_237 = vector.broadcast %parallel_loop3A_236 : i32 to vector<16xi32>
          %parallel_loop3A_238 = arith.addi %parallel_loop3A_162, %parallel_loop3A_237 : vector<16xi32>
          %parallel_loop3A_239 = tpu.vector_load_idx %arg9[%parallel_loop3A_238] : memref<65536xf32, #tpu.memory_space<vmem>>[vector<16xi32>], vector<16xf32>,
          %parallel_loop3A_240 = arith.addf %parallel_loop3A_232, %parallel_loop3A_239 : vector<16xf32>
          %parallel_loop3A_241 = arith.subf %parallel_loop3A_240, %parallel_loop3A_235 : vector<16xf32>
          %parallel_loop3A_242 = arith.constant 9.99999997E-7 : f32
          %parallel_loop3A_243 = vector.broadcast %parallel_loop3A_242 : f32 to vector<16xf32>
          %parallel_loop3A_244 = arith.addf %parallel_loop3A_241, %parallel_loop3A_243 : vector<16xf32>
          %parallel_loop3A_245 = arith.mulf %parallel_loop3A_244, %parallel_loop3A_244 : vector<16xf32>
          %parallel_loop3A_246 = arith.addf %scan3A_158, %parallel_loop3A_245 : vector<16xf32>
          %parallel_loop3A_247 = arith.constant 16 : i32
          %parallel_loop3A_248 = arith.muli %scan3A_154, %parallel_loop3A_247 : i32
          %parallel_loop3A_249 = arith.constant 4 : i32
          %parallel_loop3A_250 = arith.addi %parallel_loop3A_248, %parallel_loop3A_249 : i32
          %parallel_loop3A_251 = arith.index_cast %parallel_loop3A_250 : i32 to index
          %parallel_loop3A_252 = arith.index_cast %parallel_loop3A_92 : i32 to index
          %parallel_loop3A_253 = tpu.vector_load %arg12[%parallel_loop3A_251, %parallel_loop3A_252] {strides = array<i32>} : memref<64x128xf32, #tpu.memory_space<vmem>>, vector<16xf32>,
          %parallel_loop3A_254 = arith.index_cast %parallel_loop3A_250 : i32 to index
          %parallel_loop3A_255 = arith.index_cast %parallel_loop3A_92 : i32 to index
          %parallel_loop3A_256 = tpu.vector_load %arg13[%parallel_loop3A_254, %parallel_loop3A_255] {strides = array<i32>} : memref<64x128xf32, #tpu.memory_space<vmem>>, vector<16xf32>,
          %parallel_loop3A_257 = arith.constant 4096 : i32
          %parallel_loop3A_258 = vector.broadcast %parallel_loop3A_257 : i32 to vector<16xi32>
          %parallel_loop3A_259 = arith.addi %parallel_loop3A_162, %parallel_loop3A_258 : vector<16xi32>
          %parallel_loop3A_260 = tpu.vector_load_idx %arg9[%parallel_loop3A_259] : memref<65536xf32, #tpu.memory_space<vmem>>[vector<16xi32>], vector<16xf32>,
          %parallel_loop3A_261 = arith.addf %parallel_loop3A_253, %parallel_loop3A_260 : vector<16xf32>
          %parallel_loop3A_262 = arith.subf %parallel_loop3A_261, %parallel_loop3A_256 : vector<16xf32>
          %parallel_loop3A_263 = arith.constant 9.99999997E-7 : f32
          %parallel_loop3A_264 = vector.broadcast %parallel_loop3A_263 : f32 to vector<16xf32>
          %parallel_loop3A_265 = arith.addf %parallel_loop3A_262, %parallel_loop3A_264 : vector<16xf32>
          %parallel_loop3A_266 = arith.mulf %parallel_loop3A_265, %parallel_loop3A_265 : vector<16xf32>
          %parallel_loop3A_267 = arith.addf %parallel_loop3A_183, %parallel_loop3A_266 : vector<16xf32>
          %parallel_loop3A_268 = arith.constant 16 : i32
          %parallel_loop3A_269 = arith.muli %scan3A_154, %parallel_loop3A_268 : i32
          %parallel_loop3A_270 = arith.constant 5 : i32
          %parallel_loop3A_271 = arith.addi %parallel_loop3A_269, %parallel_loop3A_270 : i32
          %parallel_loop3A_272 = arith.index_cast %parallel_loop3A_271 : i32 to index
          %parallel_loop3A_273 = arith.index_cast %parallel_loop3A_92 : i32 to index
          %parallel_loop3A_274 = tpu.vector_load %arg12[%parallel_loop3A_272, %parallel_loop3A_273] {strides = array<i32>} : memref<64x128xf32, #tpu.memory_space<vmem>>, vector<16xf32>,
          %parallel_loop3A_275 = arith.index_cast %parallel_loop3A_271 : i32 to index
          %parallel_loop3A_276 = arith.index_cast %parallel_loop3A_92 : i32 to index
          %parallel_loop3A_277 = tpu.vector_load %arg13[%parallel_loop3A_275, %parallel_loop3A_276] {strides = array<i32>} : memref<64x128xf32, #tpu.memory_space<vmem>>, vector<16xf32>,
          %parallel_loop3A_278 = arith.constant 5120 : i32
          %parallel_loop3A_279 = vector.broadcast %parallel_loop3A_278 : i32 to vector<16xi32>
          %parallel_loop3A_280 = arith.addi %parallel_loop3A_162, %parallel_loop3A_279 : vector<16xi32>
          %parallel_loop3A_281 = tpu.vector_load_idx %arg9[%parallel_loop3A_280] : memref<65536xf32, #tpu.memory_space<vmem>>[vector<16xi32>], vector<16xf32>,
          %parallel_loop3A_282 = arith.addf %parallel_loop3A_274, %parallel_loop3A_281 : vector<16xf32>
          %parallel_loop3A_283 = arith.subf %parallel_loop3A_282, %parallel_loop3A_277 : vector<16xf32>
          %parallel_loop3A_284 = arith.constant 9.99999997E-7 : f32
          %parallel_loop3A_285 = vector.broadcast %parallel_loop3A_284 : f32 to vector<16xf32>
          %parallel_loop3A_286 = arith.addf %parallel_loop3A_283, %parallel_loop3A_285 : vector<16xf32>
          %parallel_loop3A_287 = arith.mulf %parallel_loop3A_286, %parallel_loop3A_286 : vector<16xf32>
          %parallel_loop3A_288 = arith.addf %parallel_loop3A_204, %parallel_loop3A_287 : vector<16xf32>
          %parallel_loop3A_289 = arith.constant 16 : i32
          %parallel_loop3A_290 = arith.muli %scan3A_154, %parallel_loop3A_289 : i32
          %parallel_loop3A_291 = arith.constant 6 : i32
          %parallel_loop3A_292 = arith.addi %parallel_loop3A_290, %parallel_loop3A_291 : i32
          %parallel_loop3A_293 = arith.index_cast %parallel_loop3A_292 : i32 to index
          %parallel_loop3A_294 = arith.index_cast %parallel_loop3A_92 : i32 to index
          %parallel_loop3A_295 = tpu.vector_load %arg12[%parallel_loop3A_293, %parallel_loop3A_294] {strides = array<i32>} : memref<64x128xf32, #tpu.memory_space<vmem>>, vector<16xf32>,
          %parallel_loop3A_296 = arith.index_cast %parallel_loop3A_292 : i32 to index
          %parallel_loop3A_297 = arith.index_cast %parallel_loop3A_92 : i32 to index
          %parallel_loop3A_298 = tpu.vector_load %arg13[%parallel_loop3A_296, %parallel_loop3A_297] {strides = array<i32>} : memref<64x128xf32, #tpu.memory_space<vmem>>, vector<16xf32>,
          %parallel_loop3A_299 = arith.constant 6144 : i32
          %parallel_loop3A_300 = vector.broadcast %parallel_loop3A_299 : i32 to vector<16xi32>
          %parallel_loop3A_301 = arith.addi %parallel_loop3A_162, %parallel_loop3A_300 : vector<16xi32>
          %parallel_loop3A_302 = tpu.vector_load_idx %arg9[%parallel_loop3A_301] : memref<65536xf32, #tpu.memory_space<vmem>>[vector<16xi32>], vector<16xf32>,
          %parallel_loop3A_303 = arith.addf %parallel_loop3A_295, %parallel_loop3A_302 : vector<16xf32>
          %parallel_loop3A_304 = arith.subf %parallel_loop3A_303, %parallel_loop3A_298 : vector<16xf32>
          %parallel_loop3A_305 = arith.constant 9.99999997E-7 : f32
          %parallel_loop3A_306 = vector.broadcast %parallel_loop3A_305 : f32 to vector<16xf32>
          %parallel_loop3A_307 = arith.addf %parallel_loop3A_304, %parallel_loop3A_306 : vector<16xf32>
          %parallel_loop3A_308 = arith.mulf %parallel_loop3A_307, %parallel_loop3A_307 : vector<16xf32>
          %parallel_loop3A_309 = arith.addf %parallel_loop3A_225, %parallel_loop3A_308 : vector<16xf32>
          %parallel_loop3A_310 = arith.constant 16 : i32
          %parallel_loop3A_311 = arith.muli %scan3A_154, %parallel_loop3A_310 : i32
          %parallel_loop3A_312 = arith.constant 7 : i32
          %parallel_loop3A_313 = arith.addi %parallel_loop3A_311, %parallel_loop3A_312 : i32
          %parallel_loop3A_314 = arith.index_cast %parallel_loop3A_313 : i32 to index
          %parallel_loop3A_315 = arith.index_cast %parallel_loop3A_92 : i32 to index
          %parallel_loop3A_316 = tpu.vector_load %arg12[%parallel_loop3A_314, %parallel_loop3A_315] {strides = array<i32>} : memref<64x128xf32, #tpu.memory_space<vmem>>, vector<16xf32>,
          %parallel_loop3A_317 = arith.index_cast %parallel_loop3A_313 : i32 to index
          %parallel_loop3A_318 = arith.index_cast %parallel_loop3A_92 : i32 to index
          %parallel_loop3A_319 = tpu.vector_load %arg13[%parallel_loop3A_317, %parallel_loop3A_318] {strides = array<i32>} : memref<64x128xf32, #tpu.memory_space<vmem>>, vector<16xf32>,
          %parallel_loop3A_320 = arith.constant 7168 : i32
          %parallel_loop3A_321 = vector.broadcast %parallel_loop3A_320 : i32 to vector<16xi32>
          %parallel_loop3A_322 = arith.addi %parallel_loop3A_162, %parallel_loop3A_321 : vector<16xi32>
          %parallel_loop3A_323 = tpu.vector_load_idx %arg9[%parallel_loop3A_322] : memref<65536xf32, #tpu.memory_space<vmem>>[vector<16xi32>], vector<16xf32>,
          %parallel_loop3A_324 = arith.addf %parallel_loop3A_316, %parallel_loop3A_323 : vector<16xf32>
          %parallel_loop3A_325 = arith.subf %parallel_loop3A_324, %parallel_loop3A_319 : vector<16xf32>
          %parallel_loop3A_326 = arith.constant 9.99999997E-7 : f32
          %parallel_loop3A_327 = vector.broadcast %parallel_loop3A_326 : f32 to vector<16xf32>
          %parallel_loop3A_328 = arith.addf %parallel_loop3A_325, %parallel_loop3A_327 : vector<16xf32>
          %parallel_loop3A_329 = arith.mulf %parallel_loop3A_328, %parallel_loop3A_328 : vector<16xf32>
          %parallel_loop3A_330 = arith.addf %parallel_loop3A_246, %parallel_loop3A_329 : vector<16xf32>
          %parallel_loop3A_331 = arith.constant 16 : i32
          %parallel_loop3A_332 = arith.muli %scan3A_154, %parallel_loop3A_331 : i32
          %parallel_loop3A_333 = arith.constant 8 : i32
          %parallel_loop3A_334 = arith.addi %parallel_loop3A_332, %parallel_loop3A_333 : i32
          %parallel_loop3A_335 = arith.index_cast %parallel_loop3A_334 : i32 to index
          %parallel_loop3A_336 = arith.index_cast %parallel_loop3A_92 : i32 to index
          %parallel_loop3A_337 = tpu.vector_load %arg12[%parallel_loop3A_335, %parallel_loop3A_336] {strides = array<i32>} : memref<64x128xf32, #tpu.memory_space<vmem>>, vector<16xf32>,
          %parallel_loop3A_338 = arith.index_cast %parallel_loop3A_334 : i32 to index
          %parallel_loop3A_339 = arith.index_cast %parallel_loop3A_92 : i32 to index
          %parallel_loop3A_340 = tpu.vector_load %arg13[%parallel_loop3A_338, %parallel_loop3A_339] {strides = array<i32>} : memref<64x128xf32, #tpu.memory_space<vmem>>, vector<16xf32>,
          %parallel_loop3A_341 = arith.constant 8192 : i32
          %parallel_loop3A_342 = vector.broadcast %parallel_loop3A_341 : i32 to vector<16xi32>
          %parallel_loop3A_343 = arith.addi %parallel_loop3A_162, %parallel_loop3A_342 : vector<16xi32>
          %parallel_loop3A_344 = tpu.vector_load_idx %arg9[%parallel_loop3A_343] : memref<65536xf32, #tpu.memory_space<vmem>>[vector<16xi32>], vector<16xf32>,
          %parallel_loop3A_345 = arith.addf %parallel_loop3A_337, %parallel_loop3A_344 : vector<16xf32>
          %parallel_loop3A_346 = arith.subf %parallel_loop3A_345, %parallel_loop3A_340 : vector<16xf32>
          %parallel_loop3A_347 = arith.constant 9.99999997E-7 : f32
          %parallel_loop3A_348 = vector.broadcast %parallel_loop3A_347 : f32 to vector<16xf32>
          %parallel_loop3A_349 = arith.addf %parallel_loop3A_346, %parallel_loop3A_348 : vector<16xf32>
          %parallel_loop3A_350 = arith.mulf %parallel_loop3A_349, %parallel_loop3A_349 : vector<16xf32>
          %parallel_loop3A_351 = arith.addf %parallel_loop3A_267, %parallel_loop3A_350 : vector<16xf32>
          %parallel_loop3A_352 = arith.constant 16 : i32
          %parallel_loop3A_353 = arith.muli %scan3A_154, %parallel_loop3A_352 : i32
          %parallel_loop3A_354 = arith.constant 9 : i32
          %parallel_loop3A_355 = arith.addi %parallel_loop3A_353, %parallel_loop3A_354 : i32
          %parallel_loop3A_356 = arith.index_cast %parallel_loop3A_355 : i32 to index
          %parallel_loop3A_357 = arith.index_cast %parallel_loop3A_92 : i32 to index
          %parallel_loop3A_358 = tpu.vector_load %arg12[%parallel_loop3A_356, %parallel_loop3A_357] {strides = array<i32>} : memref<64x128xf32, #tpu.memory_space<vmem>>, vector<16xf32>,
          %parallel_loop3A_359 = arith.index_cast %parallel_loop3A_355 : i32 to index
          %parallel_loop3A_360 = arith.index_cast %parallel_loop3A_92 : i32 to index
          %parallel_loop3A_361 = tpu.vector_load %arg13[%parallel_loop3A_359, %parallel_loop3A_360] {strides = array<i32>} : memref<64x128xf32, #tpu.memory_space<vmem>>, vector<16xf32>,
          %parallel_loop3A_362 = arith.constant 9216 : i32
          %parallel_loop3A_363 = vector.broadcast %parallel_loop3A_362 : i32 to vector<16xi32>
          %parallel_loop3A_364 = arith.addi %parallel_loop3A_162, %parallel_loop3A_363 : vector<16xi32>
          %parallel_loop3A_365 = tpu.vector_load_idx %arg9[%parallel_loop3A_364] : memref<65536xf32, #tpu.memory_space<vmem>>[vector<16xi32>], vector<16xf32>,
          %parallel_loop3A_366 = arith.addf %parallel_loop3A_358, %parallel_loop3A_365 : vector<16xf32>
          %parallel_loop3A_367 = arith.subf %parallel_loop3A_366, %parallel_loop3A_361 : vector<16xf32>
          %parallel_loop3A_368 = arith.constant 9.99999997E-7 : f32
          %parallel_loop3A_369 = vector.broadcast %parallel_loop3A_368 : f32 to vector<16xf32>
          %parallel_loop3A_370 = arith.addf %parallel_loop3A_367, %parallel_loop3A_369 : vector<16xf32>
          %parallel_loop3A_371 = arith.mulf %parallel_loop3A_370, %parallel_loop3A_370 : vector<16xf32>
          %parallel_loop3A_372 = arith.addf %parallel_loop3A_288, %parallel_loop3A_371 : vector<16xf32>
          %parallel_loop3A_373 = arith.constant 16 : i32
          %parallel_loop3A_374 = arith.muli %scan3A_154, %parallel_loop3A_373 : i32
          %parallel_loop3A_375 = arith.constant 10 : i32
          %parallel_loop3A_376 = arith.addi %parallel_loop3A_374, %parallel_loop3A_375 : i32
          %parallel_loop3A_377 = arith.index_cast %parallel_loop3A_376 : i32 to index
          %parallel_loop3A_378 = arith.index_cast %parallel_loop3A_92 : i32 to index
          %parallel_loop3A_379 = tpu.vector_load %arg12[%parallel_loop3A_377, %parallel_loop3A_378] {strides = array<i32>} : memref<64x128xf32, #tpu.memory_space<vmem>>, vector<16xf32>,
          %parallel_loop3A_380 = arith.index_cast %parallel_loop3A_376 : i32 to index
          %parallel_loop3A_381 = arith.index_cast %parallel_loop3A_92 : i32 to index
          %parallel_loop3A_382 = tpu.vector_load %arg13[%parallel_loop3A_380, %parallel_loop3A_381] {strides = array<i32>} : memref<64x128xf32, #tpu.memory_space<vmem>>, vector<16xf32>,
          %parallel_loop3A_383 = arith.constant 10240 : i32
          %parallel_loop3A_384 = vector.broadcast %parallel_loop3A_383 : i32 to vector<16xi32>
          %parallel_loop3A_385 = arith.addi %parallel_loop3A_162, %parallel_loop3A_384 : vector<16xi32>
          %parallel_loop3A_386 = tpu.vector_load_idx %arg9[%parallel_loop3A_385] : memref<65536xf32, #tpu.memory_space<vmem>>[vector<16xi32>], vector<16xf32>,
          %parallel_loop3A_387 = arith.addf %parallel_loop3A_379, %parallel_loop3A_386 : vector<16xf32>
          %parallel_loop3A_388 = arith.subf %parallel_loop3A_387, %parallel_loop3A_382 : vector<16xf32>
          %parallel_loop3A_389 = arith.constant 9.99999997E-7 : f32
          %parallel_loop3A_390 = vector.broadcast %parallel_loop3A_389 : f32 to vector<16xf32>
          %parallel_loop3A_391 = arith.addf %parallel_loop3A_388, %parallel_loop3A_390 : vector<16xf32>
          %parallel_loop3A_392 = arith.mulf %parallel_loop3A_391, %parallel_loop3A_391 : vector<16xf32>
          %parallel_loop3A_393 = arith.addf %parallel_loop3A_309, %parallel_loop3A_392 : vector<16xf32>
          %parallel_loop3A_394 = arith.constant 16 : i32
          %parallel_loop3A_395 = arith.muli %scan3A_154, %parallel_loop3A_394 : i32
          %parallel_loop3A_396 = arith.constant 11 : i32
          %parallel_loop3A_397 = arith.addi %parallel_loop3A_395, %parallel_loop3A_396 : i32
          %parallel_loop3A_398 = arith.index_cast %parallel_loop3A_397 : i32 to index
          %parallel_loop3A_399 = arith.index_cast %parallel_loop3A_92 : i32 to index
          %parallel_loop3A_400 = tpu.vector_load %arg12[%parallel_loop3A_398, %parallel_loop3A_399] {strides = array<i32>} : memref<64x128xf32, #tpu.memory_space<vmem>>, vector<16xf32>,
          %parallel_loop3A_401 = arith.index_cast %parallel_loop3A_397 : i32 to index
          %parallel_loop3A_402 = arith.index_cast %parallel_loop3A_92 : i32 to index
          %parallel_loop3A_403 = tpu.vector_load %arg13[%parallel_loop3A_401, %parallel_loop3A_402] {strides = array<i32>} : memref<64x128xf32, #tpu.memory_space<vmem>>, vector<16xf32>,
          %parallel_loop3A_404 = arith.constant 11264 : i32
          %parallel_loop3A_405 = vector.broadcast %parallel_loop3A_404 : i32 to vector<16xi32>
          %parallel_loop3A_406 = arith.addi %parallel_loop3A_162, %parallel_loop3A_405 : vector<16xi32>
          %parallel_loop3A_407 = tpu.vector_load_idx %arg9[%parallel_loop3A_406] : memref<65536xf32, #tpu.memory_space<vmem>>[vector<16xi32>], vector<16xf32>,
          %parallel_loop3A_408 = arith.addf %parallel_loop3A_400, %parallel_loop3A_407 : vector<16xf32>
          %parallel_loop3A_409 = arith.subf %parallel_loop3A_408, %parallel_loop3A_403 : vector<16xf32>
          %parallel_loop3A_410 = arith.constant 9.99999997E-7 : f32
          %parallel_loop3A_411 = vector.broadcast %parallel_loop3A_410 : f32 to vector<16xf32>
          %parallel_loop3A_412 = arith.addf %parallel_loop3A_409, %parallel_loop3A_411 : vector<16xf32>
          %parallel_loop3A_413 = arith.mulf %parallel_loop3A_412, %parallel_loop3A_412 : vector<16xf32>
          %parallel_loop3A_414 = arith.addf %parallel_loop3A_330, %parallel_loop3A_413 : vector<16xf32>
          %parallel_loop3A_415 = arith.constant 16 : i32
          %parallel_loop3A_416 = arith.muli %scan3A_154, %parallel_loop3A_415 : i32
          %parallel_loop3A_417 = arith.constant 12 : i32
          %parallel_loop3A_418 = arith.addi %parallel_loop3A_416, %parallel_loop3A_417 : i32
          %parallel_loop3A_419 = arith.index_cast %parallel_loop3A_418 : i32 to index
          %parallel_loop3A_420 = arith.index_cast %parallel_loop3A_92 : i32 to index
          %parallel_loop3A_421 = tpu.vector_load %arg12[%parallel_loop3A_419, %parallel_loop3A_420] {strides = array<i32>} : memref<64x128xf32, #tpu.memory_space<vmem>>, vector<16xf32>,
          %parallel_loop3A_422 = arith.index_cast %parallel_loop3A_418 : i32 to index
          %parallel_loop3A_423 = arith.index_cast %parallel_loop3A_92 : i32 to index
          %parallel_loop3A_424 = tpu.vector_load %arg13[%parallel_loop3A_422, %parallel_loop3A_423] {strides = array<i32>} : memref<64x128xf32, #tpu.memory_space<vmem>>, vector<16xf32>,
          %parallel_loop3A_425 = arith.constant 12288 : i32
          %parallel_loop3A_426 = vector.broadcast %parallel_loop3A_425 : i32 to vector<16xi32>
          %parallel_loop3A_427 = arith.addi %parallel_loop3A_162, %parallel_loop3A_426 : vector<16xi32>
          %parallel_loop3A_428 = tpu.vector_load_idx %arg9[%parallel_loop3A_427] : memref<65536xf32, #tpu.memory_space<vmem>>[vector<16xi32>], vector<16xf32>,
          %parallel_loop3A_429 = arith.addf %parallel_loop3A_421, %parallel_loop3A_428 : vector<16xf32>
          %parallel_loop3A_430 = arith.subf %parallel_loop3A_429, %parallel_loop3A_424 : vector<16xf32>
          %parallel_loop3A_431 = arith.constant 9.99999997E-7 : f32
          %parallel_loop3A_432 = vector.broadcast %parallel_loop3A_431 : f32 to vector<16xf32>
          %parallel_loop3A_433 = arith.addf %parallel_loop3A_430, %parallel_loop3A_432 : vector<16xf32>
          %parallel_loop3A_434 = arith.mulf %parallel_loop3A_433, %parallel_loop3A_433 : vector<16xf32>
          %parallel_loop3A_435 = arith.addf %parallel_loop3A_351, %parallel_loop3A_434 : vector<16xf32>
          %parallel_loop3A_436 = arith.constant 16 : i32
          %parallel_loop3A_437 = arith.muli %scan3A_154, %parallel_loop3A_436 : i32
          %parallel_loop3A_438 = arith.constant 13 : i32
          %parallel_loop3A_439 = arith.addi %parallel_loop3A_437, %parallel_loop3A_438 : i32
          %parallel_loop3A_440 = arith.index_cast %parallel_loop3A_439 : i32 to index
          %parallel_loop3A_441 = arith.index_cast %parallel_loop3A_92 : i32 to index
          %parallel_loop3A_442 = tpu.vector_load %arg12[%parallel_loop3A_440, %parallel_loop3A_441] {strides = array<i32>} : memref<64x128xf32, #tpu.memory_space<vmem>>, vector<16xf32>,
          %parallel_loop3A_443 = arith.index_cast %parallel_loop3A_439 : i32 to index
          %parallel_loop3A_444 = arith.index_cast %parallel_loop3A_92 : i32 to index
          %parallel_loop3A_445 = tpu.vector_load %arg13[%parallel_loop3A_443, %parallel_loop3A_444] {strides = array<i32>} : memref<64x128xf32, #tpu.memory_space<vmem>>, vector<16xf32>,
          %parallel_loop3A_446 = arith.constant 13312 : i32
          %parallel_loop3A_447 = vector.broadcast %parallel_loop3A_446 : i32 to vector<16xi32>
          %parallel_loop3A_448 = arith.addi %parallel_loop3A_162, %parallel_loop3A_447 : vector<16xi32>
          %parallel_loop3A_449 = tpu.vector_load_idx %arg9[%parallel_loop3A_448] : memref<65536xf32, #tpu.memory_space<vmem>>[vector<16xi32>], vector<16xf32>,
          %parallel_loop3A_450 = arith.addf %parallel_loop3A_442, %parallel_loop3A_449 : vector<16xf32>
          %parallel_loop3A_451 = arith.subf %parallel_loop3A_450, %parallel_loop3A_445 : vector<16xf32>
          %parallel_loop3A_452 = arith.constant 9.99999997E-7 : f32
          %parallel_loop3A_453 = vector.broadcast %parallel_loop3A_452 : f32 to vector<16xf32>
          %parallel_loop3A_454 = arith.addf %parallel_loop3A_451, %parallel_loop3A_453 : vector<16xf32>
          %parallel_loop3A_455 = arith.mulf %parallel_loop3A_454, %parallel_loop3A_454 : vector<16xf32>
          %parallel_loop3A_456 = arith.addf %parallel_loop3A_372, %parallel_loop3A_455 : vector<16xf32>
          %parallel_loop3A_457 = arith.constant 16 : i32
          %parallel_loop3A_458 = arith.muli %scan3A_154, %parallel_loop3A_457 : i32
          %parallel_loop3A_459 = arith.constant 14 : i32
          %parallel_loop3A_460 = arith.addi %parallel_loop3A_458, %parallel_loop3A_459 : i32
          %parallel_loop3A_461 = arith.index_cast %parallel_loop3A_460 : i32 to index
          %parallel_loop3A_462 = arith.index_cast %parallel_loop3A_92 : i32 to index
          %parallel_loop3A_463 = tpu.vector_load %arg12[%parallel_loop3A_461, %parallel_loop3A_462] {strides = array<i32>} : memref<64x128xf32, #tpu.memory_space<vmem>>, vector<16xf32>,
          %parallel_loop3A_464 = arith.index_cast %parallel_loop3A_460 : i32 to index
          %parallel_loop3A_465 = arith.index_cast %parallel_loop3A_92 : i32 to index
          %parallel_loop3A_466 = tpu.vector_load %arg13[%parallel_loop3A_464, %parallel_loop3A_465] {strides = array<i32>} : memref<64x128xf32, #tpu.memory_space<vmem>>, vector<16xf32>,
          %parallel_loop3A_467 = arith.constant 14336 : i32
          %parallel_loop3A_468 = vector.broadcast %parallel_loop3A_467 : i32 to vector<16xi32>
          %parallel_loop3A_469 = arith.addi %parallel_loop3A_162, %parallel_loop3A_468 : vector<16xi32>
          %parallel_loop3A_470 = tpu.vector_load_idx %arg9[%parallel_loop3A_469] : memref<65536xf32, #tpu.memory_space<vmem>>[vector<16xi32>], vector<16xf32>,
          %parallel_loop3A_471 = arith.addf %parallel_loop3A_463, %parallel_loop3A_470 : vector<16xf32>
          %parallel_loop3A_472 = arith.subf %parallel_loop3A_471, %parallel_loop3A_466 : vector<16xf32>
          %parallel_loop3A_473 = arith.constant 9.99999997E-7 : f32
          %parallel_loop3A_474 = vector.broadcast %parallel_loop3A_473 : f32 to vector<16xf32>
          %parallel_loop3A_475 = arith.addf %parallel_loop3A_472, %parallel_loop3A_474 : vector<16xf32>
          %parallel_loop3A_476 = arith.mulf %parallel_loop3A_475, %parallel_loop3A_475 : vector<16xf32>
          %parallel_loop3A_477 = arith.addf %parallel_loop3A_393, %parallel_loop3A_476 : vector<16xf32>
          %parallel_loop3A_478 = arith.constant 16 : i32
          %parallel_loop3A_479 = arith.muli %scan3A_154, %parallel_loop3A_478 : i32
          %parallel_loop3A_480 = arith.constant 15 : i32
          %parallel_loop3A_481 = arith.addi %parallel_loop3A_479, %parallel_loop3A_480 : i32
          %parallel_loop3A_482 = arith.index_cast %parallel_loop3A_481 : i32 to index
          %parallel_loop3A_483 = arith.index_cast %parallel_loop3A_92 : i32 to index
          %parallel_loop3A_484 = tpu.vector_load %arg12[%parallel_loop3A_482, %parallel_loop3A_483] {strides = array<i32>} : memref<64x128xf32, #tpu.memory_space<vmem>>, vector<16xf32>,
          %parallel_loop3A_485 = arith.index_cast %parallel_loop3A_481 : i32 to index
          %parallel_loop3A_486 = arith.index_cast %parallel_loop3A_92 : i32 to index
          %parallel_loop3A_487 = tpu.vector_load %arg13[%parallel_loop3A_485, %parallel_loop3A_486] {strides = array<i32>} : memref<64x128xf32, #tpu.memory_space<vmem>>, vector<16xf32>,
          %parallel_loop3A_488 = arith.constant 15360 : i32
          %parallel_loop3A_489 = vector.broadcast %parallel_loop3A_488 : i32 to vector<16xi32>
          %parallel_loop3A_490 = arith.addi %parallel_loop3A_162, %parallel_loop3A_489 : vector<16xi32>
          %parallel_loop3A_491 = tpu.vector_load_idx %arg9[%parallel_loop3A_490] : memref<65536xf32, #tpu.memory_space<vmem>>[vector<16xi32>], vector<16xf32>,
          %parallel_loop3A_492 = arith.addf %parallel_loop3A_484, %parallel_loop3A_491 : vector<16xf32>
          %parallel_loop3A_493 = arith.subf %parallel_loop3A_492, %parallel_loop3A_487 : vector<16xf32>
          %parallel_loop3A_494 = arith.constant 9.99999997E-7 : f32
          %parallel_loop3A_495 = vector.broadcast %parallel_loop3A_494 : f32 to vector<16xf32>
          %parallel_loop3A_496 = arith.addf %parallel_loop3A_493, %parallel_loop3A_495 : vector<16xf32>
          %parallel_loop3A_497 = arith.mulf %parallel_loop3A_496, %parallel_loop3A_496 : vector<16xf32>
          %parallel_loop3A_498 = arith.addf %parallel_loop3A_414, %parallel_loop3A_497 : vector<16xf32>
          scf.yield %parallel_loop3A_435, %parallel_loop3A_456, %parallel_loop3A_477, %parallel_loop3A_498 : vector<16xf32>, vector<16xf32>, vector<16xf32>, vector<16xf32>
        }
        %parallel_loop3A_109 = arith.constant 4 : i32
        %parallel_loop3A_110 = arith.addf %parallel_loop3A_108#0, %parallel_loop3A_108#1 : vector<16xf32>
        %parallel_loop3A_111 = arith.addf %parallel_loop3A_108#2, %parallel_loop3A_108#3 : vector<16xf32>
        %parallel_loop3A_112 = arith.addf %parallel_loop3A_110, %parallel_loop3A_111 : vector<16xf32>
        %parallel_loop3A_113 = tpu.bitcast %parallel_loop3A_112 : vector<16xf32> -> vector<16xi32>
        %parallel_loop3A_114 = arith.constant 1 : i32
        %parallel_loop3A_115 = vector.broadcast %parallel_loop3A_114 : i32 to vector<16xi32>
        %parallel_loop3A_116 = arith.shrsi %parallel_loop3A_113, %parallel_loop3A_115 : vector<16xi32>
        %parallel_loop3A_117 = arith.constant 1597463007 : i32
        %parallel_loop3A_118 = vector.broadcast %parallel_loop3A_117 : i32 to vector<16xi32>
        %parallel_loop3A_119 = arith.subi %parallel_loop3A_118, %parallel_loop3A_116 : vector<16xi32>
        %parallel_loop3A_120 = tpu.bitcast %parallel_loop3A_119 : vector<16xi32> -> vector<16xf32>
        %parallel_loop3A_121 = arith.constant 5.000000e-01 : f32
        %parallel_loop3A_122 = vector.broadcast %parallel_loop3A_121 : f32 to vector<16xf32>
        %parallel_loop3A_123 = arith.mulf %parallel_loop3A_122, %parallel_loop3A_112 : vector<16xf32>
        %parallel_loop3A_124 = arith.mulf %parallel_loop3A_123, %parallel_loop3A_120 : vector<16xf32>
        %parallel_loop3A_125 = arith.mulf %parallel_loop3A_124, %parallel_loop3A_120 : vector<16xf32>
        %parallel_loop3A_126 = arith.constant 1.500000e+00 : f32
        %parallel_loop3A_127 = vector.broadcast %parallel_loop3A_126 : f32 to vector<16xf32>
        %parallel_loop3A_128 = arith.subf %parallel_loop3A_127, %parallel_loop3A_125 : vector<16xf32>
        %parallel_loop3A_129 = arith.mulf %parallel_loop3A_120, %parallel_loop3A_128 : vector<16xf32>
        %parallel_loop3A_130 = arith.constant 5.000000e-01 : f32
        %parallel_loop3A_131 = vector.broadcast %parallel_loop3A_130 : f32 to vector<16xf32>
        %parallel_loop3A_132 = arith.mulf %parallel_loop3A_131, %parallel_loop3A_112 : vector<16xf32>
        %parallel_loop3A_133 = arith.mulf %parallel_loop3A_132, %parallel_loop3A_129 : vector<16xf32>
        %parallel_loop3A_134 = arith.mulf %parallel_loop3A_133, %parallel_loop3A_129 : vector<16xf32>
        %parallel_loop3A_135 = arith.constant 1.500000e+00 : f32
        %parallel_loop3A_136 = vector.broadcast %parallel_loop3A_135 : f32 to vector<16xf32>
        %parallel_loop3A_137 = arith.subf %parallel_loop3A_136, %parallel_loop3A_134 : vector<16xf32>
        %parallel_loop3A_138 = arith.mulf %parallel_loop3A_129, %parallel_loop3A_137 : vector<16xf32>
        %parallel_loop3A_139 = arith.constant 5.000000e-01 : f32
        %parallel_loop3A_140 = vector.broadcast %parallel_loop3A_139 : f32 to vector<16xf32>
        %parallel_loop3A_141 = arith.mulf %parallel_loop3A_140, %parallel_loop3A_112 : vector<16xf32>
        %parallel_loop3A_142 = arith.mulf %parallel_loop3A_141, %parallel_loop3A_138 : vector<16xf32>
        %parallel_loop3A_143 = arith.mulf %parallel_loop3A_142, %parallel_loop3A_138 : vector<16xf32>
        %parallel_loop3A_144 = arith.constant 1.500000e+00 : f32
        %parallel_loop3A_145 = vector.broadcast %parallel_loop3A_144 : f32 to vector<16xf32>
        %parallel_loop3A_146 = arith.subf %parallel_loop3A_145, %parallel_loop3A_143 : vector<16xf32>
        %parallel_loop3A_147 = arith.mulf %parallel_loop3A_138, %parallel_loop3A_146 : vector<16xf32>
        %parallel_loop3A_148 = arith.mulf %parallel_loop3A_112, %parallel_loop3A_147 : vector<16xf32>
        %parallel_loop3A_149 = arith.constant 128 : i32
        %parallel_loop3A_150 = arith.muli %add3A_69, %parallel_loop3A_149 : i32
        %parallel_loop3A_151 = arith.addi %parallel_loop3A_150, %parallel_loop3A_92 : i32
        %parallel_loop3A_152 = arith.index_cast %parallel_loop3A_151 : i32 to index
        %parallel_loop3A_153 = tpu.vector_load %arg14[%parallel_loop3A_152] {strides = array<i32>} : memref<512xf32, #tpu.memory_space<vmem>>, vector<16xf32>,
        tpu.vector_store %arg14[%parallel_loop3A_152], %parallel_loop3A_148 {strides = array<i32>} : memref<512xf32, #tpu.memory_space<vmem>>, vector<16xf32>,
      } {sc.loop_unroll_factor = 1 : i64, sc.parallel_access}
      %eq3A_85 = arith.constant 0 : i32
      %eq3A_86 = arith.cmpi eq, %scan3A_42, %eq3A_85 : i32
      %convert_element_type3A_87 = arith.extui %eq3A_86 : i1 to i32
      %cond3A_88 = arith.constant 0 : i32
      %cond3A_89 = arith.cmpi ne, %convert_element_type3A_87, %cond3A_88 : i32
      scf.if %cond3A_89 {
        %add3A_90 = arith.constant 2 : i32
        %add3A_91 = arith.addi %add3A_69, %add3A_90 : i32
        %mul3A_92 = arith.constant 128 : i32
        %mul3A_93 = arith.muli %add3A_91, %mul3A_92 : i32
        %add3A_94 = arith.addi %mul3A_2, %mul3A_93 : i32
        %dma_start3A_95 = arith.constant 0 : i32
        %dma_start3A_96 = tpu.memref_slice %arg2[%dma_start3A_95, %add3A_94] : memref<64x16384xf32, #tpu.memory_space<hbm>> -> memref<64x128xf32, #tpu.memory_space<hbm>>
        %dma_start3A_97 = arith.constant 0 : i32
        %dma_start3A_98 = tpu.memref_slice %arg2[%dma_start3A_97, %add3A_94] : memref<64x16384xf32, #tpu.memory_space<hbm>> -> memref<64x128xf32, #tpu.memory_space<hbm>>
        tpu.enqueue_dma source(%dma_start3A_98 : memref<64x128xf32, #tpu.memory_space<hbm>>) target(%arg12 : memref<64x128xf32, #tpu.memory_space<vmem>>) target_semaphore(%arg17 : memref<!tpu.dma_semaphore, #tpu.memory_space<semaphore_mem>>)
        %dma_start3A_99 = arith.constant 0 : i32
        %dma_start3A_100 = tpu.memref_slice %arg3[%dma_start3A_99, %add3A_94] : memref<64x16384xf32, #tpu.memory_space<hbm>> -> memref<64x128xf32, #tpu.memory_space<hbm>>
        %dma_start3A_101 = arith.constant 0 : i32
        %dma_start3A_102 = tpu.memref_slice %arg3[%dma_start3A_101, %add3A_94] : memref<64x16384xf32, #tpu.memory_space<hbm>> -> memref<64x128xf32, #tpu.memory_space<hbm>>
        tpu.enqueue_dma source(%dma_start3A_102 : memref<64x128xf32, #tpu.memory_space<hbm>>) target(%arg13 : memref<64x128xf32, #tpu.memory_space<vmem>>) target_semaphore(%arg17 : memref<!tpu.dma_semaphore, #tpu.memory_space<semaphore_mem>>)
      } else {
      }
    }
    %scan3A_41 = arith.constant 2 : i32
    "tpu.region"() ({
      %run_scoped3A = tpu.sem_alloc : memref<!tpu.dma_semaphore, #tpu.memory_space<semaphore_mem>>
      %dma_start3A_42 = tpu.memref_slice %arg6[%mul3A_2] : memref<16384xf32, #tpu.memory_space<hbm>> -> memref<512xf32, #tpu.memory_space<hbm>>
      %dma_start3A_43 = tpu.memref_slice %arg6[%mul3A_2] : memref<16384xf32, #tpu.memory_space<hbm>> -> memref<512xf32, #tpu.memory_space<hbm>>
      tpu.enqueue_dma source(%arg14 : memref<512xf32, #tpu.memory_space<vmem>>) target(%dma_start3A_43 : memref<512xf32, #tpu.memory_space<hbm>>) target_semaphore(%run_scoped3A : memref<!tpu.dma_semaphore, #tpu.memory_space<semaphore_mem>>)
      %dma_wait3A_44 = tpu.memref_slice %arg6[%mul3A_2] : memref<16384xf32, #tpu.memory_space<hbm>> -> memref<512xf32, #tpu.memory_space<hbm>>
      %dma_wait3A_45 = tpu.memref_slice %arg6[%mul3A_2] : memref<16384xf32, #tpu.memory_space<hbm>> -> memref<512xf32, #tpu.memory_space<hbm>>
      tpu.wait_dma2 semaphore(%run_scoped3A : memref<!tpu.dma_semaphore, #tpu.memory_space<semaphore_mem>>) src(%arg14 : memref<512xf32, #tpu.memory_space<vmem>>) dst(%dma_wait3A_45 : memref<512xf32, #tpu.memory_space<hbm>>)
      tpu.yield
    }) : () -> ()
    return
  }
}

</mosaic_0001>

<sc_bundles>
// kernel: kernel.3.cloned.1.call-start
scs
__scs_entry_jumppad:
0x0: {  	(pc) =	sbr.rel $0x88, $3  }
0x1: {  	(tag) =	ssettag $0x0;
	lr =	simm.s32 $0x1  }
0x2: {  	[smem:$0x3F9D] =	sst lr;
	_ =	strace $0xD0000000  }
0x3: {  	_ = 	snop  }
0x4: {  	_ = 	snop  }
0x5: {  	_ = 	snop  }
0x6: {  	_ = 	snop  }
0x7: {  	_ = 	snop  }
__scs_overlays_trampoline_lowered:
0x8: {  	[smem:$0x3FAC] =	sst s0  }
0x9: {  	[smem:$0x3FAD] =	sst s1  }
0xa: {  	[smem:$0x3FAE] =	sst s2  }
0xb: {  	[smem:$0x3FAF] =	sst s3  }
0xc: {  	[smem:$0x3FB0] =	sst s4  }
0xd: {  	[smem:$0x3FB1] =	sst s5  }
0xe: {  	[smem:$0x3FB2] =	sst s6  }
0xf: {  	[smem:$0x3FB3] =	sst s7  }
0x10: {  	[smem:$0x3FB4] =	sst s8  }
0x11: {  	[smem:$0x3FB5] =	sst s9;
	s0 =	simm.s32 @!p0 $0x0  }
0x12: {  	s1 =	sld [smem:$0x3F9B];
	s0 =	simm.s32 @p0 $0x1  }
0x13: {  	[smem:$0x3FB6] =	sst s0;
	s0 =	simm.s32 @!p1 $0x0  }
0x14: {  	s2 =	sld [smem:$0x3F9A];
	s0 =	simm.s32 @p1 $0x1  }
0x15: {  	[smem:$0x3FB7] =	sst s0;
	s0 =	simm.s32 @!p2 $0x0  }
0x16: {  	s3 =	sld [smem:$0x3FDB];
	s0 =	simm.s32 @p2 $0x1  }
0x17: {  	s4 =	simm.s32 $0x1BF5;
	[smem:$0x3FB9] =	sst s0  }
0x18: {  	s0 =	sld [smem:$0x3F9C];
	_ =	swait.ge [sflag:s4], $0x0  }
0x19: {  	s7 =	sld [smem:$0x3F9D]  }
0x1a: {  	s8 =	sadd.s32 $0xFFFFE003, lr  }
0x1b: {  	s9 =	sadd.s32 $0xFFFFFEF7, lr;
	s5 =	simm.s32 $0xFFFFFFFF;
	p2 =	slt.u32 s8, $0xFFFFF086  }
0x1c: {  	p1 =	slt.u32 s9, $0xF7A;
	s5 =	simm.s32 @!p2 $0x0  }
0x1d: {  	s5 =	simm.s32 @p1 $0x1;
	p0 =	seq.s32 s7, s2  }
0x1e: {  	s7 =	smul.u32 @!p0 $0xF7A, s2;
	p2 =	seq.s32 @!p0 s5, $0x0  }
0x1f: {  	s9 =	smul.u32 $0xF7A, s1;
	s8 =	simm.s32 @!p0 $0x1BF5;
	p2 =	por !p2, p0  }
0x20: {  	[sflag:s8] =	ssyncset.s32 @!p0 $0xFFFFF086;
	s6 =	sadd.s32 @!p0 s3, s7;
	s7 =	simm.s32 @!p0 $0x108  }
0x21: {  	s3 =	sadd.s32 s3, s9;
	s6 =	sadd.s32 @!p0 $0x88, s6;
	s7 =	simm.s32 @p2 $0x1082  }
0x22: {  	[simem:s7], [sflag:s8] =	dma.local @!p0 [hbm:s6], $0xF7A  }
0x23: {  	s9 =	sor.u32 $0xD0000000, s2;
	s6 =	simm.s32 $0x108;
	_ =	swait.ge @!p0 [sflag:s8], $0x0  }
0x24: {  	s3 =	sadd.s32 $0x88, s3;
	s6 =	simm.s32 @!p1 $0x1082;
	[sflag:s4] =	ssyncset.s32 $0xFFFFF086  }
0x25: {  	[simem:s6], [sflag:s4] =	dma.local [hbm:s3], $0xF7A  }
0x26: {  	[smem:$0x3F9D] =	sst s1;
	(tag) =	ssettag s2;
	_ =	strace s9  }
0x27: {  	s1 =	sld [smem:$0x3FAD]  }
0x28: {  	s2 =	sld [smem:$0x3FAE]  }
0x29: {  	s4 =	sld [smem:$0x3FB0]  }
0x2a: {  	p0 =	seq.s32 s5, $0x0;
	s5 =	sld [smem:$0x3FB1]  }
0x2b: {  	s6 =	sld [smem:$0x3FB2]  }
0x2c: {  	s7 =	sld [smem:$0x3FB3]  }
0x2d: {  	s3 =	simm.s32 $0x108;
	s8 =	sld [smem:$0x3FB4]  }
0x2e: {  	s3 =	simm.s32 @!p0 $0x1082;
	s9 =	sld [smem:$0x3FB5]  }
0x2f: {  	lr =	sadd.s32 s0, s3;
	s0 =	sld [smem:$0x3FAC]  }
0x30: {  	s3 =	sld [smem:$0x3FAF]  }
0x31: {  	[smem:$0x3FB8] =	sst s10  }
0x32: {  	s10 =	sld [smem:$0x3FB6];
	_ =	sdelay $0x3  }
0x33: {  	p0 =	seq.s32 s10, $0x1;
	s10 =	sld [smem:$0x3FB8];
	_ =	sdelay $0x3  }
0x34: {  	[smem:$0x3FB8] =	sst s10  }
0x35: {  	s10 =	sld [smem:$0x3FB7];
	_ =	sdelay $0x3  }
0x36: {  	p1 =	seq.s32 s10, $0x1;
	s10 =	sld [smem:$0x3FB8];
	_ =	sdelay $0x3  }
0x37: {  	[smem:$0x3FB8] =	sst s10  }
0x38: {  	s10 =	sld [smem:$0x3FB9]  }
0x39: {  	_ = 	snop;
	(pc) =	sbr.ind lr, $3  }
0x3a: {  	_ = 	snop  }
0x3b: {  	_ = 	snop  }
0x3c: {  	p2 =	seq.s32 s10, $0x1;
	s10 =	sld [smem:$0x3FB8]  }
0x3d: {  	_ =	shalt  }
0x3e: {  	_ =	shalt  }
0x3f: {  	_ =	shalt  }
0x40: {  	_ =	shalt  }
0x41: {  	_ =	shalt  }
0x42: {  	_ =	shalt  }
0x43: {  	_ =	shalt  }
0x44: {  	_ =	shalt  }
0x45: {  	_ =	shalt  }
0x46: {  	_ =	shalt  }
0x47: {  	_ =	shalt  }
0x48: {  	_ =	shalt  }
0x49: {  	_ =	shalt  }
0x4a: {  	_ =	shalt  }
0x4b: {  	_ =	shalt  }
0x4c: {  	_ =	shalt  }
0x4d: {  	_ =	shalt  }
0x4e: {  	_ =	shalt  }
0x4f: {  	_ =	shalt  }
0x50: {  	_ =	shalt  }
0x51: {  	_ =	shalt  }
0x52: {  	_ =	shalt  }
0x53: {  	_ =	shalt  }
0x54: {  	_ =	shalt  }
0x55: {  	_ =	shalt  }
0x56: {  	_ =	shalt  }
0x57: {  	_ =	shalt  }
0x58: {  	_ =	shalt  }
0x59: {  	_ =	shalt  }
0x5a: {  	_ =	shalt  }
0x5b: {  	_ =	shalt  }
0x5c: {  	_ =	shalt  }
0x5d: {  	_ =	shalt  }
0x5e: {  	_ =	shalt  }
0x5f: {  	_ =	shalt  }
0x60: {  	_ =	shalt  }
0x61: {  	_ =	shalt  }
0x62: {  	_ =	shalt  }
0x63: {  	_ =	shalt  }
0x64: {  	_ =	shalt  }
0x65: {  	_ =	shalt  }
0x66: {  	_ =	shalt  }
0x67: {  	_ =	shalt  }
0x68: {  	_ =	shalt  }
0x69: {  	_ =	shalt  }
0x6a: {  	_ =	shalt  }
0x6b: {  	_ =	shalt  }
0x6c: {  	_ =	shalt  }
0x6d: {  	_ =	shalt  }
0x6e: {  	_ =	shalt  }
0x6f: {  	_ =	shalt  }
0x70: {  	_ =	shalt  }
0x71: {  	_ =	shalt  }
0x72: {  	_ =	shalt  }
0x73: {  	_ =	shalt  }
0x74: {  	_ =	shalt  }
0x75: {  	_ =	shalt  }
0x76: {  	_ =	shalt  }
0x77: {  	_ =	shalt  }
0x78: {  	_ =	shalt  }
0x79: {  	_ =	shalt  }
0x7a: {  	_ =	shalt  }
0x7b: {  	_ =	shalt  }
0x7c: {  	_ =	shalt  }
0x7d: {  	_ =	shalt  }
0x7e: {  	_ =	shalt  }
0x7f: {  	_ =	shalt  }
0x80: {  	_ =	shalt  }
0x81: {  	_ =	shalt  }
0x82: {  	_ =	shalt  }
0x83: {  	_ =	shalt  }
0x84: {  	_ =	shalt  }
0x85: {  	_ =	shalt  }
0x86: {  	_ =	shalt  }
0x87: {  	_ =	shalt  }
.Lfunc_end0:
.L_simem_size_0:
called_computation_lowered:
.L_overlay_start_0:
0x88: {  	s2 =	sld [smem:$0x3FD9]  }
0x89: {  	s3 =	sld [smem:$0x3FFE];
	_ =	sdelay $0x1  }
0x8a: {  	s1 =	srdreg.scid  }
0x8b: {  	s0 =	sand.u32 $0x1, s1  }
0x8c: {  	s17 =	sshll.u32 s0, $0xA;
	s2 =	sadd.s32 s3, s2  }
0x8d: {  	s2 =	sadd.s32 s2, s17  }
0x8e: {  	[smem:$0x3FC4] =	sst s2  }
0x8f: {  	_ = 	snop  }
0x90: {  	s2 =	sld [smem:$0x3FC9]  }
0x91: {  	s18 =	sld [smem:$0x3FC8]  }
0x92: {  	s4 =	sld [smem:$0x3FC7]  }
0x93: {  	s5 =	sld [smem:$0x3FD0];
	(tm) =	ssettm $0x1  }
0x94: {  	s6 =	sld [smem:$0x3FFB];
	_ =	sdelay $0x3  }
0x95: {  	_ =	strace s6  }
0x96: {  	s6 =	sld [smem:$0x3FFC];
	_ =	sdelay $0x3  }
0x97: {  	_ =	strace s6  }
0x98: {  	s6 =	sld [smem:$0x3FFD];
	_ =	sdelay $0x3  }
0x99: {  	_ =	strace s6  }
0x9a: {  	_ =	strace $0x8FFFFFFF  }
0x9b: {  	s19 =	sld [smem:$0x3FDB];
	_ =	sdelay $0x1  }
0x9c: {  	s7 =	simm.s32 $_scs_section_size  }
0x9d: {  	s8 =	simm.s32 $_size__tile_overlayer_lowered;
	s9 =	simm.s32 $_tile_overlayer_lowered  }
0x9e: {  	s22 =	simm.s32 $0x1BFF;
	s21 =	sshll.u32 s9, $0x1;
	s6 =	sadd.s32 s7, s19  }
0x9f: {  	s10 =	simm.s32 $0x0;
	s20 =	sshll.u32 s8, $0x1;
	s8 =	sadd.s32 s21, s6  }
0xa0: {  	[timem:s10], [sflag:s22] =	dma.local [hbm:s8], s20  }
0xa1: {  	_ =	swait.ge [sflag:s22], s20  }
0xa2: {  	s7 =	ssub.s32 $0x0, s20;
	[sflag:s22] =	ssyncset.done $0x0  }
0xa3: {  	[sflag:s22] =	ssyncadd.s32 s7;
	_ =	sdelay $0x1  }
0xa4: {  	s23 =	simm.s32 $0x1B8B  }
0xa5: {  	_ =	swait.ge [sflag:s23], $0x1  }
0xa6: {  	[sflag:s23] =	ssyncset.done $0x0  }
0xa7: {  	s25 =	simm.s32 $0x1B8E;
	s24 =	sld [smem:$0x3FFE];
	[sflag:s23] =	ssyncadd.s32 $0xFFFFFFFF  }
0xa8: {  	s26 =	simm.s32 $execute0_lowered;
	[smem:$0x3FD2] =	sst s25  }
0xa9: {  	s8 =	sshll.u32 s26, $0x1;
	_ =	strace $0x80000046;
	[dreg:$0x1] =	wrdreg $0xFFFFFFFF  }
0xaa: {  	s28 =	simm.s32 $_size_execute0_lowered;
	s6 =	sadd.s32 s6, s8;
	[dreg:$0x0] =	wrdreg $0x0  }
0xab: {  	s8 =	sshll.u32 s28, $0x1;
	[dreg:$0x2] =	wrdreg s6  }
0xac: {  	[dreg:$0x3] =	wrdreg s8  }
0xad: {  	[dreg:$0x4] =	wrdreg $0xC0  }
0xae: {  	_ =	task [dreg:s10], $0x5FFFF  }
0xaf: {  	[dreg:$0x1] =	wrdreg $0xFFFFFFFF  }
0xb0: {  	[dreg:$0x0] =	wrdreg $0x60  }
0xb1: {  	[dreg:$0x2] =	wrdreg s2  }
0xb2: {  	[dreg:$0x3] =	wrdreg s18  }
0xb3: {  	[dreg:$0x4] =	wrdreg s4  }
0xb4: {  	[dreg:$0x5] =	wrdreg s24  }
0xb5: {  	[dreg:$0x6] =	wrdreg s5  }
0xb6: {  	[dreg:$0x7] =	wrdreg $0x2000  }
0xb7: {  	[dreg:$0x8] =	wrdreg $0x9  }
0xb8: {  	_ =	task.clear_ibuf [dreg:s10], $0x9FFFF;
	_ =	strace $0x90000046  }
0xb9: {  	s29 =	simm.s32 $0x9;
	_ =	strace $0x80000048  }
0xba: {  	_ =	swait.ge [sflag:s29], $0x1  }
0xbb: {  	[sflag:s29] =	ssyncadd.s32 $0xFFFFFFFF  }
0xbc: {  	_ =	strace $0x90000048  }
0xbd: {  	_ =	sfence  }
0xbe: {  	s30 =	sld [smem:$0x0];
	_ =	sdelay $0x2  }
0xbf: {  	s31 =	sshll.u32 s1, $0xD;
	s1 =	sshrl.u32 s1, $0x2  }
0xc0: {  	s3 =	sand.u32 $0x4000, s31;
	s1 =	sadd.s32 s1, s30  }
0xc1: {  	s0 =	sor.u32 s3, s0;
	s1 =	sshll.u32 s1, $0x11  }
0xc2: {  	s0 =	sor.u32 s1, s0  }
0xc3: {  	s0 =	sadd.s32 $0x8F2B, s0  }
0xc4: {  	[sflag:s0] =	ssyncadd.remote.s32 $0x1  }
0xc5: {  	_ =	sfence.sel $0xFFFF  }
0xc6: {  	[dreg:$0x0] =	wrdreg $0xFFFFFFFF;
	(pc) =	sbr.abs _section_cstart, $3  }
0xc7: {  	[dreg:$0x1] =	wrdreg $0xFFFFFFFF  }
0xc8: {  	_ =	task.clear_ibuf [dreg:s10], $0x2FFFF;
	_ =	strace $0x9FFFFFFF  }
0xc9: {  	(tm) =	ssettm $0x7FFFFFFF  }
tec
execute0_lowered:
.L_overlay_start_1:
0x0: {  	(tag) =	ssettag $0x1  }
0x1: {  	s0 =	rddreg [dreg:$0x0]  }
0x2: {  	s1 =	rddreg [dreg:$0x1]  }
0x3: {  	s2 =	rddreg [dreg:$0x2]  }
0x4: {  	s3 =	rddreg [dreg:$0x3]  }
0x5: {  	s13 =	rddreg [dreg:$0x4];
	s4 =	srdreg.scid  }
0x6: {  	s15 =	stileid.u32;
	s17 =	simm.s32 $0x0;
	s19 =	simm.s32 $0x15200  }
0x7: {  	s20 =	simm.s32 $0x17200;
	s21 =	simm.s32 $0x1200;
	s22 =	simm.s32 $0x4  }
0x8: {  	s23 =	simm.s32 $0x1;
	s24 =	simm.s32 $0x2;
	s25 =	simm.s32 $0x3  }
0x9: {  	s28 =	simm.s32 $0x0;
	s4 =	sand.u32 $0x1, s4;
	s5 =	sshll.u32 s15, $0xA  }
0xa: {  	[smem:$0x7FF] =	sst s17;
	s3 =	sadd.s32 $0x400, s3;
	p0 =	sne.s32 s15, $0x0  }
0xb: {  	s15 =	simm.s32 $0x400;
	s6 =	sshll.u32 s4, $0x9;
	s4 =	ssub.s32 $0x2, s4  }
0xc: {  	_ =	strace $0x80000047;
	s11 =	sor.u32 s6, s5;
	s26 =	sshrl.u32 s4, $0x1  }
0xd: {  	s14 =	sshrl.u32 s11, $0x3;
	s16 =	ssub.s32 s4, s26;
	s5 =	sadd.s32 s0, s11  }
.Ltmp0:
0xe: {  	s6 =	sadd.s32 s1, s11;
	s29 =	sor.u32 $0x80, s11;
	(pc) =	sbr.rel .LBB2_1-.Ltmp0, $4  }
0xf: {  	s30 =	sor.u32 $0x100, s11;
	s31 =	sor.u32 $0x180, s11;
	s4 =	sadd.s32 s2, s14  }
0x10: {  	s7 =	sadd.s32 s0, s29;
	s8 =	sadd.s32 s1, s29;
	s9 =	sadd.s32 s0, s30  }
0x11: {  	s10 =	sadd.s32 s1, s30;
	s11 =	sadd.s32 s0, s31;
	s12 =	sadd.s32 s1, s31  }
0x12: {  	s13 =	sadd.s32 s13, s14;
	s14 =	smax.u32 s16, $0x1;
	s16 =	simm.s32 $0x20000  }
.LBB2_12:
0x13: {  	s28 =	sadd.s32 $0x1, s28  }
0x14: {  	p1 =	sne.s32 s28, s14  }
.Ltmp1:
0x15: {  	s17 =	simm.s32 $0x0;
	s0 =	simm.s32 $0x19200;
	(pc) =	sbr.rel @!p1 .LBB2_13-.Ltmp1, $4  }
0x16: {  	[hbm4b:s13+s17] =	stream.linear.scatter [tilespmem:s0], [sflag:$0x4], $0x200, $0x38;
	[tilespmem:$0x19400] =	vst v63  }
0x17: {  	_ =	swait.ge [sflag:s22], $0x200  }
0x18: {  	[sflag:s22] =	ssyncset.done $0x0  }
0x19: {  	[sflag:s22] =	ssyncadd.s32 $0xFFFFFE00  }
.LBB2_1:
0x1a: {  	[tilespmem:s17], [sflag:$0x1] =	stream.linear.gather [hbm4b:s4+s17], $0x200, $0x38;
	[tilespmem:$0x19400] =	vst v63  }
0x1b: {  	s0 =	simm.s32 $0x11200  }
0x1c: {  	[tilespmem:s0], [sflag:$0x2] =	stream.strided.gather [hbm4b:s5+s15], $0x2000, s16, s15, $0x38;
	[tilespmem:$0x19400] =	vst v63  }
0x1d: {  	s31 =	simm.s32 $0x13200  }
0x1e: {  	[tilespmem:s31], [sflag:$0x2] =	stream.strided.gather [hbm4b:s6+s15], $0x2000, s16, s15, $0x38;
	[tilespmem:$0x19400] =	vst v63  }
0x1f: {  	s2 =	rddreg [dreg:$0x5]  }
0x20: {  	[tilespmem:s19], [sflag:$0x3] =	stream.strided.gather [hbm4b:s7+s15], $0x2000, s16, s15, $0x38;
	[tilespmem:$0x19400] =	vst v63  }
0x21: {  	s1 =	simm.s32 @!p0 $0x1C04;
	s0 =	sshrl.u32 @!p0 s2, $0x3  }
0x22: {  	[tilespmem:s20], [sflag:$0x3] =	stream.strided.gather [hbm4b:s8+s15], $0x2000, s16, s15, $0x38;
	[tilespmem:$0x19400] =	vst v63  }
0x23: {  	[spmem:s0], [sflag:s1] =	dma.local @!p0 [hbm:s3], $0x2000  }
0x24: {  	s0 =	simm.s32 @!p0 $0x4  }
0x25: {  	_ =	swait.ge @!p0 [sflag:s0], $0x2000  }
0x26: {  	[sflag:s0] =	ssyncset.done @!p0 $0x0  }
0x27: {  	[sflag:s0] =	ssyncadd.s32 @!p0 $0xFFFFE000  }
0x28: {  	[bflag:$0x0] =	sbarrier.arrive $0xFFFF  }
0x29: {  	[tilespmem:s21], [sflag:$0x4] =	stream.linear.gather [spmem:s2], $0x10000, $0x38;
	[tilespmem:$0x19400] =	vst v63  }
0x2a: {  	_ =	swait.ge [sflag:s22], $0x10000  }
0x2b: {  	[sflag:s22] =	ssyncset.done $0x0  }
0x2c: {  	[sflag:s22] =	ssyncadd.s32 $0xFFFF0000  }
0x2d: {  	_ =	swait.ge [sflag:s23], $0x200  }
0x2e: {  	[sflag:s23] =	ssyncset.done $0x0  }
0x2f: {  	p1 =	por $0x1, $0x1;
	s0 =	simm.s32 $0x0;
	[sflag:s23] =	ssyncadd.s32 $0xFFFFFE00  }
.LBB2_2:
0x30: {  	_ =	swait.ge [sflag:s24], $0x2000  }
0x31: {  	[sflag:s24] =	ssyncset.done $0x0  }
0x32: {  	s29 =	sshll.u32 s0, $0x8;
	[sflag:s24] =	ssyncadd.s32 $0xFFFFE000  }
0x33: {  	s30 =	simm.s32 $0x0;
	s0 =	sand.u32 $0x3FFFFF00, s29;
	_ =	swait.ge [sflag:s24], $0x2000  }
0x34: {  	s2 =	simm.s32 $0x11600;
	s1 =	sadd.s32 $0x19200, s0;
	v0 =	vmov s0;
	[sflag:s24] =	ssyncset.done $0x0  }
0x35: {  	s26 =	simm.s32 $0x13600;
	s17 =	simm.s32 $0x0;
	v1 =	vmov s1;
	[tilespmem:$0x1FFF0] =	vst v0;
	[sflag:s24] =	ssyncadd.s32 $0xFFFFE000  }
.LBB2_3:
0x36: {  	v0 =	vld [tilespmem:$0x1FFF0]  }
0x37: {  	v3 =	vld [tilespmem:s26+$0x200]  }
0x38: {  	v4 =	vld [tilespmem:s26+$0x280]  }
0x39: {  	v6 =	vld [tilespmem:s26+$0x300]  }
0x3a: {  	v5 =	vld [tilespmem:s26+$0x380]  }
0x3b: {  	v8 =	vld [tilespmem:s26+$0x0]  }
0x3c: {  	v7 =	vld [tilespmem:s26+$0x80]  }
0x3d: {  	v9 =	vld [tilespmem:s26+$0x100]  }
0x3e: {  	v25 =	vld [tilespmem:s2+$0x200]  }
0x3f: {  	v26 =	vld [tilespmem:s2+$0x280]  }
0x40: {  	v27 =	vld [tilespmem:s2+$0x300]  }
0x41: {  	v28 =	vld [tilespmem:s2+$0x380]  }
0x42: {  	s18 =	sshll.u32 s17, $0x4;
	v31 =	vld [tilespmem:s2+$0x0]  }
0x43: {  	v2 =	vld.idx.msk [tilespmem:v0+s18+$0x0 ss:$0x1], $0xffff  }
0x44: {  	v37 =	vld [tilespmem:s2+$0x80]  }
0x45: {  	v38 =	vld [tilespmem:s2+$0x100]  }
0x46: {  	v39 =	vld [tilespmem:s2+$0x180]  }
0x47: {  	v40 =	vld [tilespmem:s26+$0xFFFFFC00]  }
0x48: {  	v41 =	vld [tilespmem:s2+$0xFFFFFE00];
	v24 =	vand.u32 $0x7F, v2;
	v16 =	vadd.s32 s30, v2  }
0x49: {  	v42 =	vld [tilespmem:s2+$0xFFFFFE80];
	v10 =	vor.u32 $0x3000, v24;
	v32 =	vand.u32 $0xFFFFFF80, v16  }
0x4a: {  	v44 =	vld [tilespmem:s2+$0xFFFFFF00];
	v11 =	vor.u32 $0x3400, v24;
	v17 =	vadd.s32 v10, v32  }
0x4b: {  	v45 =	vld [tilespmem:s2+$0xFFFFFF80];
	v12 =	vor.u32 $0x3800, v24;
	v18 =	vadd.s32 v11, v32  }
0x4c: {  	v33 =	vld [tilespmem:s2+$0xFFFFFC00];
	v14 =	vor.u32 $0x2000, v24;
	v19 =	vadd.s32 v12, v32  }
0x4d: {  	v29 =	vld [tilespmem:s2+$0xFFFFFC80];
	v13 =	vor.u32 $0x3C00, v24;
	v21 =	vadd.s32 v14, v32  }
0x4e: {  	v15 =	vor.u32 $0x2400, v24;
	v20 =	vadd.s32 v13, v32;
	v34 =	vld.idx.msk [tilespmem:v16+s21+$0x0], $0xffff  }
0x4f: {  	v22 =	vadd.s32 v15, v32;
	v16 =	vor.u32 $0x2800, v24;
	v35 =	vld.idx.msk [tilespmem:v17+s21+$0x0], $0xffff  }
0x50: {  	v23 =	vadd.s32 v16, v32;
	v36 =	vld.idx.msk [tilespmem:v18+s21+$0x0], $0xffff  }
0x51: {  	v46 =	vld.idx.msk [tilespmem:v19+s21+$0x0], $0xffff  }
0x52: {  	v17 =	vor.u32 $0x2C00, v24;
	v18 =	vor.u32 $0x1000, v24;
	v19 =	vor.u32 $0x1400, v24;
	v50 =	vld.idx.msk [tilespmem:v21+s21+$0x0], $0xffff  }
0x53: {  	v49 =	vld.idx.msk [tilespmem:v20+s21+$0x0], $0xffff;
	v20 =	vor.u32 $0x1800, v24;
	v21 =	vor.u32 $0x1C00, v24;
	v43 =	vadd.s32 v17, v32  }
0x54: {  	v52 =	vld.idx.msk [tilespmem:v22+s21+$0x0], $0xffff;
	v22 =	vor.u32 $0x400, v24;
	v47 =	vadd.s32 v18, v32;
	v48 =	vadd.s32 v19, v32  }
0x55: {  	v51 =	vadd.s32 v20, v32;
	v53 =	vadd.s32 v21, v32;
	v54 =	vld.idx.msk [tilespmem:v23+s21+$0x0], $0xffff;
	v23 =	vor.u32 $0x800, v24  }
0x56: {  	v30 =	vld [tilespmem:s2+$0xFFFFFD00];
	v55 =	vadd.s32 v22, v32;
	v24 =	vor.u32 $0xC00, v24;
	v56 =	vadd.s32 v23, v32  }
0x57: {  	v58 =	vadd.s32 v24, v32;
	v32 =	vadd.f32 v35, v25;
	v35 =	vadd.f32 v50, v31;
	v50 =	vld [tilespmem:s2+$0xFFFFFD80]  }
0x58: {  	v43 =	vld.idx.msk [tilespmem:v43+s21+$0x0], $0xffff  }
0x59: {  	v57 =	vld.idx.msk [tilespmem:v47+s21+$0x0], $0xffff  }
0x5a: {  	v59 =	vld.idx.msk [tilespmem:v48+s21+$0x0], $0xffff  }
0x5b: {  	v51 =	vld.idx.msk [tilespmem:v51+s21+$0x0], $0xffff  }
0x5c: {  	v53 =	vld.idx.msk [tilespmem:v53+s21+$0x0], $0xffff  }
0x5d: {  	v60 =	vadd.f32 v34, v33;
	v33 =	vadd.f32 v36, v26;
	v47 =	vld.idx.msk [tilespmem:v55+s21+$0x0], $0xffff  }
0x5e: {  	v34 =	vadd.f32 v46, v27;
	v36 =	vadd.f32 v49, v28;
	v48 =	vld.idx.msk [tilespmem:v56+s21+$0x0], $0xffff  }
0x5f: {  	v37 =	vadd.f32 v52, v37;
	v31 =	vsub.f32 v60, v40;
	v25 =	vimm.f32 $0.0e+00;
	v49 =	vld.idx.msk [tilespmem:v58+s21+$0x0], $0xffff  }
0x60: {  	v40 =	vld [tilespmem:s26+$0x180];
	v28 =	vimm.f32 $0.0e+00;
	v38 =	vadd.f32 v54, v38;
	v39 =	vadd.f32 v43, v39  }
0x61: {  	v46 =	vld [tilespmem:s26+$0xFFFFFE80];
	v26 =	vimm.f32 $0.0e+00;
	v41 =	vadd.f32 v57, v41;
	v42 =	vadd.f32 v59, v42  }
0x62: {  	s1 =	simm.s32 $0x4000;
	s0 =	smov.u32 s26;
	s31 =	smov.u32 s2;
	v27 =	vimm.f32 $0.0e+00;
	v43 =	vld [tilespmem:s26+$0xFFFFFE00];
	v44 =	vadd.f32 v51, v44;
	v45 =	vadd.f32 v53, v45  }
.LBB2_4:
0x63: {  	p2 =	sne.s32 s1, $0xC000;
	v29 =	vadd.f32 v47, v29;
	v30 =	vadd.f32 v48, v30;
	v47 =	vld [tilespmem:s0+$0xFFFFFF00]  }
0x64: {  	v32 =	vsub.f32 v32, v3;
	v48 =	vadd.f32 v49, v50;
	v49 =	vld [tilespmem:s0+$0xFFFFFF80]  }
0x65: {  	v33 =	vsub.f32 v33, v4;
	v34 =	vsub.f32 v34, v6;
	v50 =	vld [tilespmem:s0+$0xFFFFFC80]  }
0x66: {  	v35 =	vsub.f32 v35, v8;
	v36 =	vsub.f32 v36, v5;
	v51 =	vld [tilespmem:s0+$0xFFFFFD00]  }
0x67: {  	v37 =	vsub.f32 v37, v7;
	v38 =	vsub.f32 v38, v9;
	v52 =	vld [tilespmem:s0+$0xFFFFFD80];
	s0 =	sadd.s32 $0x800, s0  }
0x68: {  	v31 =	vadd.f32 $9.999999970e-07, v31;
	v39 =	vsub.f32 v39, v40;
	v3 =	vld [tilespmem:s0+$0x200]  }
0x69: {  	v40 =	vsub.f32 v41, v43;
	v41 =	vsub.f32 v42, v46;
	v4 =	vld [tilespmem:s0+$0x280]  }
0x6a: {  	v42 =	vsub.f32 v44, v47;
	v43 =	vsub.f32 v45, v49;
	v6 =	vld [tilespmem:s0+$0x300]  }
0x6b: {  	v29 =	vsub.f32 v29, v50;
	v5 =	vld [tilespmem:s0+$0x380];
	v30 =	vsub.f32 v30, v51  }
0x6c: {  	v32 =	vadd.f32 $9.999999970e-07, v32;
	v8 =	vld [tilespmem:s0+$0x0];
	v44 =	vsub.f32 v48, v52  }
0x6d: {  	v33 =	vadd.f32 $9.999999970e-07, v33;
	v34 =	vadd.f32 $9.999999970e-07, v34;
	v45 =	vadd.s32 s1, v2;
	v7 =	vld [tilespmem:s0+$0x80]  }
0x6e: {  	s31 =	sadd.s32 $0x800, s31;
	v35 =	vadd.f32 $9.999999970e-07, v35;
	v36 =	vadd.f32 $9.999999970e-07, v36;
	v46 =	vand.u32 $0xFFFFFF80, v45;
	v9 =	vld [tilespmem:s0+$0x100]  }
0x6f: {  	v37 =	vadd.f32 $9.999999970e-07, v37;
	v38 =	vadd.f32 $9.999999970e-07, v38;
	v47 =	vadd.s32 v10, v46;
	v48 =	vld [tilespmem:s31+$0x200]  }
0x70: {  	v31 =	vmul.f32 v31, v31;
	v39 =	vadd.f32 $9.999999970e-07, v39;
	v40 =	vadd.f32 $9.999999970e-07, v40;
	v49 =	vld [tilespmem:s31+$0x280]  }
0x71: {  	v32 =	vmul.f32 v32, v32;
	v41 =	vadd.f32 $9.999999970e-07, v41;
	v29 =	vadd.f32 $9.999999970e-07, v29;
	v50 =	vld [tilespmem:s31+$0x300]  }
0x72: {  	v35 =	vmul.f32 v35, v35;
	v33 =	vmul.f32 v33, v33;
	v30 =	vadd.f32 $9.999999970e-07, v30;
	v51 =	vld [tilespmem:s31+$0x380]  }
0x73: {  	v37 =	vmul.f32 v37, v37;
	v40 =	vmul.f32 v40, v40;
	v44 =	vadd.f32 $9.999999970e-07, v44;
	v52 =	vld [tilespmem:s31+$0x0]  }
0x74: {  	v42 =	vadd.f32 $9.999999970e-07, v42;
	v41 =	vmul.f32 v41, v41;
	v29 =	vmul.f32 v29, v29;
	v53 =	vld [tilespmem:s31+$0x80]  }
0x75: {  	v43 =	vadd.f32 $9.999999970e-07, v43;
	v30 =	vmul.f32 v30, v30;
	v44 =	vmul.f32 v44, v44;
	v54 =	vld [tilespmem:s31+$0x100]  }
0x76: {  	v25 =	vadd.f32 v31, v25;
	v28 =	vadd.f32 v29, v28;
	v29 =	vmul.f32 v42, v42;
	v55 =	vld [tilespmem:s31+$0x180]  }
0x77: {  	v26 =	vadd.f32 v30, v26;
	v30 =	vmul.f32 v43, v43;
	v27 =	vadd.f32 v44, v27;
	v31 =	vld [tilespmem:s0+$0xFFFFFC00]  }
0x78: {  	v38 =	vmul.f32 v38, v38;
	v25 =	vadd.f32 v40, v25;
	v28 =	vadd.f32 v41, v28;
	v42 =	vld [tilespmem:s31+$0xFFFFFE00]  }
0x79: {  	v26 =	vadd.f32 v29, v26;
	v29 =	vmul.f32 v39, v39;
	v27 =	vadd.f32 v30, v27;
	v44 =	vld [tilespmem:s31+$0xFFFFFE80]  }
0x7a: {  	v25 =	vadd.f32 v35, v25;
	v28 =	vadd.f32 v37, v28;
	v30 =	vmul.f32 v34, v34;
	v56 =	vld [tilespmem:s31+$0xFFFFFF00]  }
0x7b: {  	v34 =	vmul.f32 v36, v36;
	v26 =	vadd.f32 v38, v26;
	v27 =	vadd.f32 v29, v27;
	v57 =	vld [tilespmem:s31+$0xFFFFFF80]  }
0x7c: {  	v25 =	vadd.f32 v32, v25;
	v36 =	vadd.s32 v11, v46;
	v28 =	vadd.f32 v33, v28;
	v35 =	vld [tilespmem:s31+$0xFFFFFC00]  }
0x7d: {  	v32 =	vadd.s32 v12, v46;
	v26 =	vadd.f32 v30, v26;
	v27 =	vadd.f32 v34, v27;
	v29 =	vld [tilespmem:s31+$0xFFFFFC80]  }
0x7e: {  	v33 =	vadd.s32 v13, v46;
	v30 =	vld [tilespmem:s31+$0xFFFFFD00]  }
0x7f: {  	v37 =	vadd.s32 v14, v46;
	v34 =	vld.idx.msk [tilespmem:v45+s21+$0x0], $0xffff  }
0x80: {  	v38 =	vadd.s32 v15, v46;
	v39 =	vld.idx.msk [tilespmem:v47+s21+$0x0], $0xffff  }
0x81: {  	v40 =	vadd.s32 v16, v46;
	v36 =	vld.idx.msk [tilespmem:v36+s21+$0x0], $0xffff  }
0x82: {  	v41 =	vadd.s32 v17, v46;
	v43 =	vld.idx.msk [tilespmem:v32+s21+$0x0], $0xffff  }
0x83: {  	v32 =	vadd.s32 v18, v46;
	v45 =	vld.idx.msk [tilespmem:v33+s21+$0x0], $0xffff  }
0x84: {  	v33 =	vadd.s32 v19, v46;
	v37 =	vld.idx.msk [tilespmem:v37+s21+$0x0], $0xffff  }
0x85: {  	v47 =	vadd.s32 v20, v46;
	v38 =	vld.idx.msk [tilespmem:v38+s21+$0x0], $0xffff  }
0x86: {  	v58 =	vadd.s32 v21, v46;
	v40 =	vld.idx.msk [tilespmem:v40+s21+$0x0], $0xffff  }
0x87: {  	v59 =	vadd.s32 v22, v46;
	v41 =	vld.idx.msk [tilespmem:v41+s21+$0x0], $0xffff  }
0x88: {  	v60 =	vadd.s32 v23, v46;
	v61 =	vld.idx.msk [tilespmem:v32+s21+$0x0], $0xffff  }
0x89: {  	v46 =	vadd.s32 v24, v46;
	v62 =	vld.idx.msk [tilespmem:v33+s21+$0x0], $0xffff  }
0x8a: {  	v63 =	vld.idx.msk [tilespmem:v47+s21+$0x0], $0xffff  }
0x8b: {  	v58 =	vld.idx.msk [tilespmem:v58+s21+$0x0], $0xffff  }
0x8c: {  	v0 =	vadd.f32 v34, v35;
	v32 =	vadd.f32 v39, v48;
	v47 =	vld.idx.msk [tilespmem:v59+s21+$0x0], $0xffff  }
0x8d: {  	v34 =	vadd.f32 v43, v50;
	v33 =	vadd.f32 v36, v49;
	v48 =	vld.idx.msk [tilespmem:v60+s21+$0x0], $0xffff  }
.Ltmp2:
0x8e: {  	v35 =	vadd.f32 v37, v52;
	v36 =	vadd.f32 v45, v51;
	v49 =	vld.idx.msk [tilespmem:v46+s21+$0x0], $0xffff;
	(pc) =	sbr.rel @p2 .LBB2_4-.Ltmp2, $4  }
0x8f: {  	v37 =	vadd.f32 v38, v53;
	v38 =	vadd.f32 v40, v54;
	v50 =	vld [tilespmem:s31+$0xFFFFFD80]  }
0x90: {  	v31 =	vsub.f32 v0, v31;
	v39 =	vadd.f32 v41, v55;
	v40 =	vld [tilespmem:s0+$0x180]  }
0x91: {  	v41 =	vadd.f32 v61, v42;
	v42 =	vadd.f32 v62, v44;
	v43 =	vld [tilespmem:s0+$0xFFFFFE00]  }
0x92: {  	s1 =	sadd.s32 $0x4000, s1;
	v44 =	vadd.f32 v63, v56;
	v45 =	vadd.f32 v58, v57;
	v46 =	vld [tilespmem:s0+$0xFFFFFE80]  }
0x93: {  	v0 =	vadd.f32 v47, v29  }
0x94: {  	v2 =	vadd.f32 v48, v30;
	v3 =	vsub.f32 v32, v3  }
0x95: {  	v4 =	vsub.f32 v33, v4;
	v6 =	vsub.f32 v34, v6  }
0x96: {  	v8 =	vsub.f32 v35, v8;
	v5 =	vsub.f32 v36, v5  }
0x97: {  	v10 =	vld [tilespmem:s0+$0xFFFFFF00];
	v7 =	vsub.f32 v37, v7;
	v9 =	vsub.f32 v38, v9  }
0x98: {  	v12 =	vld [tilespmem:s0+$0xFFFFFF80];
	v16 =	vadd.f32 $9.999999970e-07, v31;
	v11 =	vadd.f32 v49, v50  }
0x99: {  	v13 =	vld [tilespmem:s0+$0xFFFFFC80];
	v17 =	vsub.f32 v39, v40;
	v3 =	vadd.f32 $9.999999970e-07, v3  }
0x9a: {  	v14 =	vld [tilespmem:s0+$0xFFFFFD00];
	v4 =	vadd.f32 $9.999999970e-07, v4;
	v6 =	vadd.f32 $9.999999970e-07, v6  }
0x9b: {  	v15 =	vld [tilespmem:s0+$0xFFFFFD80];
	v8 =	vadd.f32 $9.999999970e-07, v8;
	v5 =	vadd.f32 $9.999999970e-07, v5  }
0x9c: {  	v7 =	vadd.f32 $9.999999970e-07, v7;
	v9 =	vadd.f32 $9.999999970e-07, v9  }
0x9d: {  	v18 =	vsub.f32 v41, v43;
	v19 =	vsub.f32 v42, v46  }
0x9e: {  	v57 =	vadd.f32 $9.999999970e-07, v17;
	v10 =	vsub.f32 v44, v10  }
0x9f: {  	v55 =	vmul.f32 v16, v16;
	v12 =	vsub.f32 v45, v12;
	v0 =	vsub.f32 v0, v13  }
0xa0: {  	v3 =	vmul.f32 v3, v3;
	v2 =	vsub.f32 v2, v14;
	v11 =	vsub.f32 v11, v15  }
0xa1: {  	v8 =	vmul.f32 v8, v8;
	v56 =	vadd.f32 $9.999999970e-07, v18;
	v13 =	vadd.f32 v55, v25  }
0xa2: {  	v4 =	vmul.f32 v4, v4;
	v58 =	vadd.f32 $9.999999970e-07, v19;
	v0 =	vadd.f32 $9.999999970e-07, v0  }
0xa3: {  	v7 =	vmul.f32 v7, v7;
	v2 =	vadd.f32 $9.999999970e-07, v2;
	v11 =	vadd.f32 $9.999999970e-07, v11  }
0xa4: {  	v14 =	vmul.f32 v56, v56;
	v10 =	vadd.f32 $9.999999970e-07, v10;
	v0 =	vmul.f32 v0, v0  }
0xa5: {  	v12 =	vadd.f32 $9.999999970e-07, v12;
	v2 =	vmul.f32 v2, v2;
	v11 =	vmul.f32 v11, v11  }
0xa6: {  	v16 =	vmul.f32 v58, v58;
	v10 =	vmul.f32 v10, v10;
	v0 =	vadd.f32 v0, v28  }
0xa7: {  	v12 =	vmul.f32 v12, v12;
	v2 =	vadd.f32 v2, v26;
	v11 =	vadd.f32 v11, v27  }
0xa8: {  	v9 =	vmul.f32 v9, v9;
	v13 =	vadd.f32 v14, v13;
	v0 =	vadd.f32 v16, v0  }
0xa9: {  	v60 =	vmul.f32 v57, v57;
	v2 =	vadd.f32 v10, v2;
	v59 =	vadd.f32 v12, v11  }
0xaa: {  	v6 =	vmul.f32 v6, v6;
	v8 =	vadd.f32 v8, v13;
	v0 =	vadd.f32 v7, v0  }
0xab: {  	v5 =	vmul.f32 v5, v5;
	v2 =	vadd.f32 v9, v2;
	v61 =	vadd.f32 v60, v59  }
0xac: {  	v3 =	vadd.f32 v3, v8;
	v0 =	vadd.f32 v4, v0  }
0xad: {  	v2 =	vadd.f32 v6, v2;
	v62 =	vadd.f32 v5, v61;
	_ =	sdelay $0x1  }
0xae: {  	v0 =	vadd.f32 v0, v3;
	v2 =	vadd.f32 v62, v2;
	_ =	sdelay $0x1  }
0xaf: {  	v0 =	vadd.f32 v2, v0;
	_ =	sdelay $0x1  }
0xb0: {  	v2 =	vshra.s32 v0, $0x1;
	v3 =	vmul.f32 $5.000000000e-01, v0  }
0xb1: {  	v2 =	vsub.s32 $0x5F3759DF, v2  }
0xb2: {  	v63 =	vmul.f32 v2, v3;
	_ =	sdelay $0x1  }
0xb3: {  	v4 =	vmul.f32 v2, v63;
	_ =	sdelay $0x1  }
0xb4: {  	v4 =	vsub.f32 $1.500000000e+00, v4;
	_ =	sdelay $0x1  }
0xb5: {  	v2 =	vmul.f32 v2, v4;
	_ =	sdelay $0x1  }
0xb6: {  	v4 =	vmul.f32 v2, v3;
	_ =	sdelay $0x1  }
0xb7: {  	v4 =	vmul.f32 v4, v2;
	_ =	sdelay $0x1  }
0xb8: {  	v4 =	vsub.f32 $1.500000000e+00, v4;
	_ =	sdelay $0x1  }
0xb9: {  	v2 =	vmul.f32 v4, v2;
	_ =	sdelay $0x1  }
0xba: {  	v3 =	vmul.f32 v2, v3;
	_ =	sdelay $0x1  }
0xbb: {  	v3 =	vmul.f32 v3, v2;
	_ =	sdelay $0x1  }
0xbc: {  	s17 =	sadd.s32 $0x1, s17;
	v3 =	vsub.f32 $1.500000000e+00, v3  }
0xbd: {  	p2 =	sne.s32 s17, $0x8  }
.Ltmp3:
0xbe: {  	v2 =	vmul.f32 v3, v2;
	(pc) =	sbr.rel @p2 .LBB2_3-.Ltmp3, $3  }
0xbf: {  	_ = 	snop  }
0xc0: {  	v0 =	vmul.f32 v2, v0;
	_ =	sdelay $0x1  }
0xc1: {  	s2 =	sadd.s32 $0x10, s2;
	s26 =	sadd.s32 $0x10, s26;
	[tilespmem:v1+s18+$0x0 ss:$0x1] =	vst.idx.msk $0xffff, v0  }
0xc2: {  	s0 =	simm.s32 @p1 $0x400;
	s1 =	simm.s32 @p1 $0x20000;
	s2 =	simm.s32 @p1 $0x11200  }
0xc3: {  	[tilespmem:s2], [sflag:$0x2] =	stream.strided.gather @p1 [hbm4b:s9+s0], $0x2000, s1, s0, $0x38;
	[tilespmem:$0x19400] =	vst v63  }
0xc4: {  	s2 =	simm.s32 @p1 $0x13200  }
0xc5: {  	[tilespmem:s2], [sflag:$0x2] =	stream.strided.gather @p1 [hbm4b:s10+s0], $0x2000, s1, s0, $0x38;
	[tilespmem:$0x19400] =	vst v63  }
0xc6: {  	_ =	swait.ge [sflag:s25], $0x2000  }
0xc7: {  	[sflag:s25] =	ssyncset.done $0x0  }
0xc8: {  	[sflag:s25] =	ssyncadd.s32 $0xFFFFE000  }
0xc9: {  	s26 =	sor.u32 $0x80, s29;
	s31 =	sadd.s32 $0x19280, s29;
	_ =	swait.ge [sflag:s25], $0x2000  }
0xca: {  	s29 =	simm.s32 $0x0;
	s30 =	simm.s32 $0x15600;
	v0 =	vmov s26;
	[sflag:s25] =	ssyncset.done $0x0  }
0xcb: {  	s17 =	simm.s32 $0x0;
	v1 =	vmov s31;
	s0 =	simm.s32 $0x17600;
	[tilespmem:$0x1FFE0] =	vst v0;
	[sflag:s25] =	ssyncadd.s32 $0xFFFFE000  }
.LBB2_7:
0xcc: {  	v0 =	vld [tilespmem:$0x1FFE0]  }
0xcd: {  	v3 =	vld [tilespmem:s0+$0x200]  }
0xce: {  	v4 =	vld [tilespmem:s0+$0x280]  }
0xcf: {  	v6 =	vld [tilespmem:s0+$0x300]  }
0xd0: {  	v5 =	vld [tilespmem:s0+$0x380]  }
0xd1: {  	v8 =	vld [tilespmem:s0+$0x0]  }
0xd2: {  	v7 =	vld [tilespmem:s0+$0x80]  }
0xd3: {  	v9 =	vld [tilespmem:s0+$0x100]  }
0xd4: {  	v25 =	vld [tilespmem:s30+$0x200]  }
0xd5: {  	v26 =	vld [tilespmem:s30+$0x280]  }
0xd6: {  	v27 =	vld [tilespmem:s30+$0x300]  }
0xd7: {  	v28 =	vld [tilespmem:s30+$0x380]  }
0xd8: {  	s18 =	sshll.u32 s17, $0x4;
	v31 =	vld [tilespmem:s30+$0x0]  }
0xd9: {  	v2 =	vld.idx.msk [tilespmem:v0+s18+$0x0 ss:$0x1], $0xffff  }
0xda: {  	v37 =	vld [tilespmem:s30+$0x80]  }
0xdb: {  	v38 =	vld [tilespmem:s30+$0x100]  }
0xdc: {  	v39 =	vld [tilespmem:s30+$0x180]  }
0xdd: {  	v40 =	vld [tilespmem:s0+$0xFFFFFC00]  }
0xde: {  	v41 =	vld [tilespmem:s30+$0xFFFFFE00];
	v24 =	vand.u32 $0x7F, v2;
	v16 =	vadd.s32 s29, v2  }
0xdf: {  	v42 =	vld [tilespmem:s30+$0xFFFFFE80];
	v10 =	vor.u32 $0x3000, v24;
	v32 =	vand.u32 $0xFFFFFF80, v16  }
0xe0: {  	v44 =	vld [tilespmem:s30+$0xFFFFFF00];
	v11 =	vor.u32 $0x3400, v24;
	v17 =	vadd.s32 v10, v32  }
0xe1: {  	v45 =	vld [tilespmem:s30+$0xFFFFFF80];
	v12 =	vor.u32 $0x3800, v24;
	v18 =	vadd.s32 v11, v32  }
0xe2: {  	v33 =	vld [tilespmem:s30+$0xFFFFFC00];
	v14 =	vor.u32 $0x2000, v24;
	v19 =	vadd.s32 v12, v32  }
0xe3: {  	v29 =	vld [tilespmem:s30+$0xFFFFFC80];
	v13 =	vor.u32 $0x3C00, v24;
	v21 =	vadd.s32 v14, v32  }
0xe4: {  	v15 =	vor.u32 $0x2400, v24;
	v20 =	vadd.s32 v13, v32;
	v34 =	vld.idx.msk [tilespmem:v16+s21+$0x0], $0xffff  }
0xe5: {  	v22 =	vadd.s32 v15, v32;
	v16 =	vor.u32 $0x2800, v24;
	v35 =	vld.idx.msk [tilespmem:v17+s21+$0x0], $0xffff  }
0xe6: {  	v23 =	vadd.s32 v16, v32;
	v36 =	vld.idx.msk [tilespmem:v18+s21+$0x0], $0xffff  }
0xe7: {  	v46 =	vld.idx.msk [tilespmem:v19+s21+$0x0], $0xffff  }
0xe8: {  	v17 =	vor.u32 $0x2C00, v24;
	v18 =	vor.u32 $0x1000, v24;
	v19 =	vor.u32 $0x1400, v24;
	v50 =	vld.idx.msk [tilespmem:v21+s21+$0x0], $0xffff  }
0xe9: {  	v49 =	vld.idx.msk [tilespmem:v20+s21+$0x0], $0xffff;
	v20 =	vor.u32 $0x1800, v24;
	v21 =	vor.u32 $0x1C00, v24;
	v43 =	vadd.s32 v17, v32  }
0xea: {  	v52 =	vld.idx.msk [tilespmem:v22+s21+$0x0], $0xffff;
	v22 =	vor.u32 $0x400, v24;
	v47 =	vadd.s32 v18, v32;
	v48 =	vadd.s32 v19, v32  }
0xeb: {  	v51 =	vadd.s32 v20, v32;
	v53 =	vadd.s32 v21, v32;
	v54 =	vld.idx.msk [tilespmem:v23+s21+$0x0], $0xffff;
	v23 =	vor.u32 $0x800, v24  }
0xec: {  	v30 =	vld [tilespmem:s30+$0xFFFFFD00];
	v55 =	vadd.s32 v22, v32;
	v24 =	vor.u32 $0xC00, v24;
	v56 =	vadd.s32 v23, v32  }
0xed: {  	v58 =	vadd.s32 v24, v32;
	v32 =	vadd.f32 v35, v25;
	v35 =	vadd.f32 v50, v31;
	v50 =	vld [tilespmem:s30+$0xFFFFFD80]  }
0xee: {  	v43 =	vld.idx.msk [tilespmem:v43+s21+$0x0], $0xffff  }
0xef: {  	v57 =	vld.idx.msk [tilespmem:v47+s21+$0x0], $0xffff  }
0xf0: {  	v59 =	vld.idx.msk [tilespmem:v48+s21+$0x0], $0xffff  }
0xf1: {  	v51 =	vld.idx.msk [tilespmem:v51+s21+$0x0], $0xffff  }
0xf2: {  	v53 =	vld.idx.msk [tilespmem:v53+s21+$0x0], $0xffff  }
0xf3: {  	v60 =	vadd.f32 v34, v33;
	v33 =	vadd.f32 v36, v26;
	v47 =	vld.idx.msk [tilespmem:v55+s21+$0x0], $0xffff  }
0xf4: {  	v34 =	vadd.f32 v46, v27;
	v36 =	vadd.f32 v49, v28;
	v48 =	vld.idx.msk [tilespmem:v56+s21+$0x0], $0xffff  }
0xf5: {  	v37 =	vadd.f32 v52, v37;
	v31 =	vsub.f32 v60, v40;
	v25 =	vimm.f32 $0.0e+00;
	v49 =	vld.idx.msk [tilespmem:v58+s21+$0x0], $0xffff  }
0xf6: {  	v40 =	vld [tilespmem:s0+$0x180];
	v28 =	vimm.f32 $0.0e+00;
	v38 =	vadd.f32 v54, v38;
	v39 =	vadd.f32 v43, v39  }
0xf7: {  	v46 =	vld [tilespmem:s0+$0xFFFFFE80];
	v26 =	vimm.f32 $0.0e+00;
	v41 =	vadd.f32 v57, v41;
	v42 =	vadd.f32 v59, v42  }
0xf8: {  	s1 =	simm.s32 $0x4000;
	s26 =	smov.u32 s0;
	s2 =	smov.u32 s30;
	v27 =	vimm.f32 $0.0e+00;
	v43 =	vld [tilespmem:s0+$0xFFFFFE00];
	v44 =	vadd.f32 v51, v44;
	v45 =	vadd.f32 v53, v45  }
.LBB2_8:
0xf9: {  	p2 =	sne.s32 s1, $0xC000;
	v29 =	vadd.f32 v47, v29;
	v30 =	vadd.f32 v48, v30;
	v47 =	vld [tilespmem:s26+$0xFFFFFF00]  }
0xfa: {  	v32 =	vsub.f32 v32, v3;
	v48 =	vadd.f32 v49, v50;
	v49 =	vld [tilespmem:s26+$0xFFFFFF80]  }
0xfb: {  	v33 =	vsub.f32 v33, v4;
	v34 =	vsub.f32 v34, v6;
	v50 =	vld [tilespmem:s26+$0xFFFFFC80]  }
0xfc: {  	v35 =	vsub.f32 v35, v8;
	v36 =	vsub.f32 v36, v5;
	v51 =	vld [tilespmem:s26+$0xFFFFFD00]  }
0xfd: {  	v37 =	vsub.f32 v37, v7;
	v38 =	vsub.f32 v38, v9;
	v52 =	vld [tilespmem:s26+$0xFFFFFD80];
	s26 =	sadd.s32 $0x800, s26  }
0xfe: {  	v31 =	vadd.f32 $9.999999970e-07, v31;
	v39 =	vsub.f32 v39, v40;
	v3 =	vld [tilespmem:s26+$0x200]  }
0xff: {  	v40 =	vsub.f32 v41, v43;
	v41 =	vsub.f32 v42, v46;
	v4 =	vld [tilespmem:s26+$0x280]  }
0x100: {  	v42 =	vsub.f32 v44, v47;
	v43 =	vsub.f32 v45, v49;
	v6 =	vld [tilespmem:s26+$0x300]  }
0x101: {  	v29 =	vsub.f32 v29, v50;
	v5 =	vld [tilespmem:s26+$0x380];
	v30 =	vsub.f32 v30, v51  }
0x102: {  	v32 =	vadd.f32 $9.999999970e-07, v32;
	v8 =	vld [tilespmem:s26+$0x0];
	v44 =	vsub.f32 v48, v52  }
0x103: {  	v33 =	vadd.f32 $9.999999970e-07, v33;
	v34 =	vadd.f32 $9.999999970e-07, v34;
	v45 =	vadd.s32 s1, v2;
	v7 =	vld [tilespmem:s26+$0x80]  }
0x104: {  	s2 =	sadd.s32 $0x800, s2;
	v35 =	vadd.f32 $9.999999970e-07, v35;
	v36 =	vadd.f32 $9.999999970e-07, v36;
	v46 =	vand.u32 $0xFFFFFF80, v45;
	v9 =	vld [tilespmem:s26+$0x100]  }
0x105: {  	v37 =	vadd.f32 $9.999999970e-07, v37;
	v38 =	vadd.f32 $9.999999970e-07, v38;
	v47 =	vadd.s32 v10, v46;
	v48 =	vld [tilespmem:s2+$0x200]  }
0x106: {  	v31 =	vmul.f32 v31, v31;
	v39 =	vadd.f32 $9.999999970e-07, v39;
	v40 =	vadd.f32 $9.999999970e-07, v40;
	v49 =	vld [tilespmem:s2+$0x280]  }
0x107: {  	v32 =	vmul.f32 v32, v32;
	v41 =	vadd.f32 $9.999999970e-07, v41;
	v29 =	vadd.f32 $9.999999970e-07, v29;
	v50 =	vld [tilespmem:s2+$0x300]  }
0x108: {  	v35 =	vmul.f32 v35, v35;
	v33 =	vmul.f32 v33, v33;
	v30 =	vadd.f32 $9.999999970e-07, v30;
	v51 =	vld [tilespmem:s2+$0x380]  }
0x109: {  	v37 =	vmul.f32 v37, v37;
	v40 =	vmul.f32 v40, v40;
	v44 =	vadd.f32 $9.999999970e-07, v44;
	v52 =	vld [tilespmem:s2+$0x0]  }
0x10a: {  	v42 =	vadd.f32 $9.999999970e-07, v42;
	v41 =	vmul.f32 v41, v41;
	v29 =	vmul.f32 v29, v29;
	v53 =	vld [tilespmem:s2+$0x80]  }
0x10b: {  	v43 =	vadd.f32 $9.999999970e-07, v43;
	v30 =	vmul.f32 v30, v30;
	v44 =	vmul.f32 v44, v44;
	v54 =	vld [tilespmem:s2+$0x100]  }
0x10c: {  	v25 =	vadd.f32 v31, v25;
	v28 =	vadd.f32 v29, v28;
	v29 =	vmul.f32 v42, v42;
	v55 =	vld [tilespmem:s2+$0x180]  }
0x10d: {  	v26 =	vadd.f32 v30, v26;
	v30 =	vmul.f32 v43, v43;
	v27 =	vadd.f32 v44, v27;
	v31 =	vld [tilespmem:s26+$0xFFFFFC00]  }
0x10e: {  	v38 =	vmul.f32 v38, v38;
	v25 =	vadd.f32 v40, v25;
	v28 =	vadd.f32 v41, v28;
	v42 =	vld [tilespmem:s2+$0xFFFFFE00]  }
0x10f: {  	v26 =	vadd.f32 v29, v26;
	v29 =	vmul.f32 v39, v39;
	v27 =	vadd.f32 v30, v27;
	v44 =	vld [tilespmem:s2+$0xFFFFFE80]  }
0x110: {  	v25 =	vadd.f32 v35, v25;
	v28 =	vadd.f32 v37, v28;
	v30 =	vmul.f32 v34, v34;
	v56 =	vld [tilespmem:s2+$0xFFFFFF00]  }
0x111: {  	v34 =	vmul.f32 v36, v36;
	v26 =	vadd.f32 v38, v26;
	v27 =	vadd.f32 v29, v27;
	v57 =	vld [tilespmem:s2+$0xFFFFFF80]  }
0x112: {  	v25 =	vadd.f32 v32, v25;
	v36 =	vadd.s32 v11, v46;
	v28 =	vadd.f32 v33, v28;
	v35 =	vld [tilespmem:s2+$0xFFFFFC00]  }
0x113: {  	v32 =	vadd.s32 v12, v46;
	v26 =	vadd.f32 v30, v26;
	v27 =	vadd.f32 v34, v27;
	v29 =	vld [tilespmem:s2+$0xFFFFFC80]  }
0x114: {  	v33 =	vadd.s32 v13, v46;
	v30 =	vld [tilespmem:s2+$0xFFFFFD00]  }
0x115: {  	v37 =	vadd.s32 v14, v46;
	v34 =	vld.idx.msk [tilespmem:v45+s21+$0x0], $0xffff  }
0x116: {  	v38 =	vadd.s32 v15, v46;
	v39 =	vld.idx.msk [tilespmem:v47+s21+$0x0], $0xffff  }
0x117: {  	v40 =	vadd.s32 v16, v46;
	v36 =	vld.idx.msk [tilespmem:v36+s21+$0x0], $0xffff  }
0x118: {  	v41 =	vadd.s32 v17, v46;
	v43 =	vld.idx.msk [tilespmem:v32+s21+$0x0], $0xffff  }
0x119: {  	v32 =	vadd.s32 v18, v46;
	v45 =	vld.idx.msk [tilespmem:v33+s21+$0x0], $0xffff  }
0x11a: {  	v33 =	vadd.s32 v19, v46;
	v37 =	vld.idx.msk [tilespmem:v37+s21+$0x0], $0xffff  }
0x11b: {  	v47 =	vadd.s32 v20, v46;
	v38 =	vld.idx.msk [tilespmem:v38+s21+$0x0], $0xffff  }
0x11c: {  	v58 =	vadd.s32 v21, v46;
	v40 =	vld.idx.msk [tilespmem:v40+s21+$0x0], $0xffff  }
0x11d: {  	v59 =	vadd.s32 v22, v46;
	v41 =	vld.idx.msk [tilespmem:v41+s21+$0x0], $0xffff  }
0x11e: {  	v60 =	vadd.s32 v23, v46;
	v61 =	vld.idx.msk [tilespmem:v32+s21+$0x0], $0xffff  }
0x11f: {  	v46 =	vadd.s32 v24, v46;
	v62 =	vld.idx.msk [tilespmem:v33+s21+$0x0], $0xffff  }
0x120: {  	v63 =	vld.idx.msk [tilespmem:v47+s21+$0x0], $0xffff  }
0x121: {  	v58 =	vld.idx.msk [tilespmem:v58+s21+$0x0], $0xffff  }
0x122: {  	v0 =	vadd.f32 v34, v35;
	v32 =	vadd.f32 v39, v48;
	v47 =	vld.idx.msk [tilespmem:v59+s21+$0x0], $0xffff  }
0x123: {  	v34 =	vadd.f32 v43, v50;
	v33 =	vadd.f32 v36, v49;
	v48 =	vld.idx.msk [tilespmem:v60+s21+$0x0], $0xffff  }
.Ltmp4:
0x124: {  	v35 =	vadd.f32 v37, v52;
	v36 =	vadd.f32 v45, v51;
	v49 =	vld.idx.msk [tilespmem:v46+s21+$0x0], $0xffff;
	(pc) =	sbr.rel @p2 .LBB2_8-.Ltmp4, $4  }
0x125: {  	v37 =	vadd.f32 v38, v53;
	v38 =	vadd.f32 v40, v54;
	v50 =	vld [tilespmem:s2+$0xFFFFFD80]  }
0x126: {  	v31 =	vsub.f32 v0, v31;
	v39 =	vadd.f32 v41, v55;
	v40 =	vld [tilespmem:s26+$0x180]  }
0x127: {  	v41 =	vadd.f32 v61, v42;
	v42 =	vadd.f32 v62, v44;
	v43 =	vld [tilespmem:s26+$0xFFFFFE00]  }
0x128: {  	s1 =	sadd.s32 $0x4000, s1;
	v44 =	vadd.f32 v63, v56;
	v45 =	vadd.f32 v58, v57;
	v46 =	vld [tilespmem:s26+$0xFFFFFE80]  }
0x129: {  	v0 =	vadd.f32 v47, v29  }
0x12a: {  	v2 =	vadd.f32 v48, v30;
	v3 =	vsub.f32 v32, v3  }
0x12b: {  	v4 =	vsub.f32 v33, v4;
	v6 =	vsub.f32 v34, v6  }
0x12c: {  	v8 =	vsub.f32 v35, v8;
	v5 =	vsub.f32 v36, v5  }
0x12d: {  	v10 =	vld [tilespmem:s26+$0xFFFFFF00];
	v7 =	vsub.f32 v37, v7;
	v9 =	vsub.f32 v38, v9  }
0x12e: {  	v12 =	vld [tilespmem:s26+$0xFFFFFF80];
	v16 =	vadd.f32 $9.999999970e-07, v31;
	v11 =	vadd.f32 v49, v50  }
0x12f: {  	v13 =	vld [tilespmem:s26+$0xFFFFFC80];
	v17 =	vsub.f32 v39, v40;
	v3 =	vadd.f32 $9.999999970e-07, v3  }
0x130: {  	v14 =	vld [tilespmem:s26+$0xFFFFFD00];
	v4 =	vadd.f32 $9.999999970e-07, v4;
	v6 =	vadd.f32 $9.999999970e-07, v6  }
0x131: {  	v15 =	vld [tilespmem:s26+$0xFFFFFD80];
	v8 =	vadd.f32 $9.999999970e-07, v8;
	v5 =	vadd.f32 $9.999999970e-07, v5  }
0x132: {  	v7 =	vadd.f32 $9.999999970e-07, v7;
	v9 =	vadd.f32 $9.999999970e-07, v9  }
0x133: {  	v18 =	vsub.f32 v41, v43;
	v19 =	vsub.f32 v42, v46  }
0x134: {  	v57 =	vadd.f32 $9.999999970e-07, v17;
	v10 =	vsub.f32 v44, v10  }
0x135: {  	v55 =	vmul.f32 v16, v16;
	v12 =	vsub.f32 v45, v12;
	v0 =	vsub.f32 v0, v13  }
0x136: {  	v3 =	vmul.f32 v3, v3;
	v2 =	vsub.f32 v2, v14;
	v11 =	vsub.f32 v11, v15  }
0x137: {  	v8 =	vmul.f32 v8, v8;
	v56 =	vadd.f32 $9.999999970e-07, v18;
	v13 =	vadd.f32 v55, v25  }
0x138: {  	v4 =	vmul.f32 v4, v4;
	v58 =	vadd.f32 $9.999999970e-07, v19;
	v0 =	vadd.f32 $9.999999970e-07, v0  }
0x139: {  	v7 =	vmul.f32 v7, v7;
	v2 =	vadd.f32 $9.999999970e-07, v2;
	v11 =	vadd.f32 $9.999999970e-07, v11  }
0x13a: {  	v14 =	vmul.f32 v56, v56;
	v10 =	vadd.f32 $9.999999970e-07, v10;
	v0 =	vmul.f32 v0, v0  }
0x13b: {  	v12 =	vadd.f32 $9.999999970e-07, v12;
	v2 =	vmul.f32 v2, v2;
	v11 =	vmul.f32 v11, v11  }
0x13c: {  	v16 =	vmul.f32 v58, v58;
	v10 =	vmul.f32 v10, v10;
	v0 =	vadd.f32 v0, v28  }
0x13d: {  	v12 =	vmul.f32 v12, v12;
	v2 =	vadd.f32 v2, v26;
	v11 =	vadd.f32 v11, v27  }
0x13e: {  	v9 =	vmul.f32 v9, v9;
	v13 =	vadd.f32 v14, v13;
	v0 =	vadd.f32 v16, v0  }
0x13f: {  	v60 =	vmul.f32 v57, v57;
	v2 =	vadd.f32 v10, v2;
	v59 =	vadd.f32 v12, v11  }
0x140: {  	v6 =	vmul.f32 v6, v6;
	v8 =	vadd.f32 v8, v13;
	v0 =	vadd.f32 v7, v0  }
0x141: {  	v5 =	vmul.f32 v5, v5;
	v2 =	vadd.f32 v9, v2;
	v61 =	vadd.f32 v60, v59  }
0x142: {  	v3 =	vadd.f32 v3, v8;
	v0 =	vadd.f32 v4, v0  }
0x143: {  	v2 =	vadd.f32 v6, v2;
	v62 =	vadd.f32 v5, v61;
	_ =	sdelay $0x1  }
0x144: {  	v0 =	vadd.f32 v0, v3;
	v2 =	vadd.f32 v62, v2;
	_ =	sdelay $0x1  }
0x145: {  	v0 =	vadd.f32 v2, v0;
	_ =	sdelay $0x1  }
0x146: {  	v2 =	vshra.s32 v0, $0x1;
	v3 =	vmul.f32 $5.000000000e-01, v0  }
0x147: {  	v2 =	vsub.s32 $0x5F3759DF, v2  }
0x148: {  	v63 =	vmul.f32 v2, v3;
	_ =	sdelay $0x1  }
0x149: {  	v4 =	vmul.f32 v2, v63;
	_ =	sdelay $0x1  }
0x14a: {  	v4 =	vsub.f32 $1.500000000e+00, v4;
	_ =	sdelay $0x1  }
0x14b: {  	v2 =	vmul.f32 v2, v4;
	_ =	sdelay $0x1  }
0x14c: {  	v4 =	vmul.f32 v2, v3;
	_ =	sdelay $0x1  }
0x14d: {  	v4 =	vmul.f32 v4, v2;
	_ =	sdelay $0x1  }
0x14e: {  	v4 =	vsub.f32 $1.500000000e+00, v4;
	_ =	sdelay $0x1  }
0x14f: {  	v2 =	vmul.f32 v4, v2;
	_ =	sdelay $0x1  }
0x150: {  	v3 =	vmul.f32 v2, v3;
	_ =	sdelay $0x1  }
0x151: {  	v3 =	vmul.f32 v3, v2;
	_ =	sdelay $0x1  }
0x152: {  	s17 =	sadd.s32 $0x1, s17;
	v3 =	vsub.f32 $1.500000000e+00, v3  }
0x153: {  	p2 =	sne.s32 s17, $0x8  }
.Ltmp5:
0x154: {  	v2 =	vmul.f32 v3, v2;
	(pc) =	sbr.rel @p2 .LBB2_7-.Ltmp5, $3  }
0x155: {  	_ = 	snop  }
0x156: {  	v0 =	vmul.f32 v2, v0;
	_ =	sdelay $0x1  }
0x157: {  	s30 =	sadd.s32 $0x10, s30;
	s0 =	sadd.s32 $0x10, s0;
	[tilespmem:v1+s18+$0x0 ss:$0x1] =	vst.idx.msk $0xffff, v0  }
.Ltmp6:
0x158: {  	(pc) =	sbr.rel @!p1 .LBB2_12-.Ltmp6, $1  }
0x159: {  	_ =	sdelay $0x3  }
.Ltmp7:
0x15a: {  	(pc) =	sbr.rel .LBB2_2-.Ltmp7, $4  }
0x15b: {  	_ = 	snop  }
0x15c: {  	[tilespmem:s19], [sflag:$0x3] =	stream.strided.gather [hbm4b:s11+s15], $0x2000, s16, s15, $0x38;
	[tilespmem:$0x19400] =	vst v63  }
0x15d: {  	s0 =	simm.s32 $0x1;
	p1 =	por $0x0, $0x0  }
0x15e: {  	[tilespmem:s20], [sflag:$0x3] =	stream.strided.gather [hbm4b:s12+s15], $0x2000, s16, s15, $0x38;
	[tilespmem:$0x19400] =	vst v63  }
.LBB2_13:
0x15f: {  	_ =	sfence.sel $0x180000  }
0x160: {  	[bflag:$0x0] =	sbarrier.arrive $0xFFFF  }
0x161: {  	_ =	strace $0x90000047  }
0x162: {  	[bflag:$0x2] =	sbarrier.arrive $0xFFFF  }
0x163: {  	s0 =	rddreg [dreg:$0x6]  }
0x164: {  	s0 =	sadd.s32 @!p0 $0x100000, s0  }
0x165: {  	[sflag:s0] =	ssyncadd.tile.s32 @!p0 $0x1;
	_ =	shalt  }
.Lfunc_end2:
_tile_overlayer_lowered:
.L_overlay_start_2:
0x166: {  	(tag) =	ssettag $0x2  }
0x167: {  	s0 =	rddreg [dreg:$0x0];
	s2 =	stileid.u32  }
0x168: {  	s1 =	rddreg [dreg:$0x1];
	p0 =	sne.s32 s2, $0x0  }
0x169: {  	s3 =	rddreg [dreg:$0x2];
	[bflag:$0x3] =	sbarrier.arrive $0xFFFF;
	s2 =	simm.s32 @!p0 $0x1C04  }
0x16a: {  	[timem:s3], [sflag:s2] =	dma.local @!p0 [hbm:s0], s1  }
0x16b: {  	s0 =	simm.s32 @!p0 $0x4  }
0x16c: {  	_ =	swait.ge @!p0 [sflag:s0], s1  }
0x16d: {  	s1 =	ssub.s32 @!p0 $0x0, s1;
	[sflag:s0] =	ssyncset.done @!p0 $0x0  }
0x16e: {  	[sflag:s0] =	ssyncadd.s32 @!p0 s1  }
0x16f: {  	[bflag:$0x3] =	sbarrier.arrive $0xFFFF  }
0x170: {  	_ =	shalt  }

</sc_bundles>
